<compile_context>
chip_gen: v7x
topology: tpu7x:2x2x1
jax: 0.10.2.dev20260603
libtpu: 0.0.44.dev20260713+nightly
codegen_flags: <defaults>
</compile_context>

<pallas_src>
import functools

import jax
import jax.numpy as jnp
from jax import lax
from jax.experimental import pallas as pl
from jax.experimental.pallas import tpu as pltpu
from jax.experimental.pallas import tpu_sc as plsc

N = 10000
E = 320000
D = 128
EPS = 1e-08

NC = 2
NS = 16
NW = NC * NS

EPT = E // NW
CH = 128
NCHUNK = 80
EPTP = NCHUNK * CH
PAD = EPTP - EPT
NBLK = NCHUNK // 8
TRASH = N
ACC_ROWS = N + 16 * NS
ZR = 16
NZB = N // ZR
ZPT = (NZB + NS - 1) // NS


def _mesh():
    return plsc.VectorSubcoreMesh(
        core_axis_name="c", subcore_axis_name="s",
        num_cores=NC, num_subcores=NS)


def _deg_body(dst_hbm, degp_hbm, idx_v, deg_v):
    c = lax.axis_index("c")
    s = lax.axis_index("s")
    wid = c * NS + s
    pltpu.sync_copy(dst_hbm.at[pl.ds(wid * EPT, EPT)], idx_v)

    zeros16 = jnp.zeros((16,), jnp.int32)

    def zbody(i, _):
        deg_v[pl.ds(i * 16, 16)] = zeros16
        return 0

    lax.fori_loop(0, N // 16, zbody, 0)

    ones16 = jnp.ones((16,), jnp.int32)

    def body(i, _):
        idx = idx_v[pl.ds(i * 16, 16)]
        plsc.addupdate_scatter(deg_v, [idx], ones16)
        return 0

    lax.fori_loop(0, EPT // 16, body, 0)
    pltpu.sync_copy(deg_v, degp_hbm.at[wid])


def _deg_call(dst):
    return pl.kernel(
        _deg_body,
        out_type=jax.ShapeDtypeStruct((NW, N), jnp.int32),
        mesh=_mesh(),
        scratch_types=[
            pltpu.VMEM((EPT,), jnp.int32),
            pltpu.VMEM((N,), jnp.int32),
        ],
        compiler_params=pltpu.CompilerParams(needs_layout_passes=False),
    )(dst)


def _scat_body(hs_hbm, src_hbm, dst_hbm, out_hbm,
               acc_sh, srcfull, dstv0, dstv1, rows0, rows1,
               g0, g1, d0, d1):
    c = lax.axis_index("c")
    s = lax.axis_index("s")
    wid = c * NS + s
    rows = [rows0, rows1]
    gsems = [g0, g1]
    dstv = [dstv0, dstv1]

    zeros16f = jnp.zeros((16,), jnp.float32)

    def zinit(i, _):
        rows0[i // (D // 16), pl.ds((i % (D // 16)) * 16, 16)] = zeros16f
        return 0

    lax.fori_loop(0, CH * (D // 16), zinit, 0)

    def zbody(t, _):
        i = t * NS + s

        @pl.when(i < NZB)
        def _():
            pltpu.sync_copy(rows0.at[pl.ds(0, ZR)], acc_sh.at[pl.ds(i * ZR, ZR)])
        return 0

    lax.fori_loop(0, ZPT, zbody, 0)
    plsc.subcore_barrier()

    pltpu.sync_copy(src_hbm.at[wid], srcfull)

    def dstload(blk, slot, sem):
        return pltpu.make_async_copy(dst_hbm.at[wid].at[blk], dstv[slot], sem)

    def gather(j, par):
        return pltpu.make_async_copy(
            hs_hbm.at[srcfull.at[pl.ds(j * CH, CH)]], rows[par], gsems[par])

    dstload(0, 0, d0).start()
    dstload(1, 1, d1).start()
    gather(0, 0).start()

    def body(sb, _):
        base = sb * 16
        for jj in range(16):
            j = base + jj
            par = jj % 2
            if jj == 0:
                dstload(0, 0, d0).wait()
            if jj == 8:
                dstload(0, 1, d1).wait()
            if jj < 15:
                gather(j + 1, 1 - par).start()
            else:
                @pl.when(sb < NBLK // 2 - 1)
                def _():
                    gather(j + 1, 1 - par).start()
            gather(j, par).wait()
            pltpu.sync_copy(rows[par], acc_sh.at[dstv[jj // 8].at[jj % 8]],
                            add=True)
            if jj == 7:
                @pl.when(sb < NBLK // 2 - 1)
                def _():
                    dstload(2 * sb + 2, 0, d0).start()
            if jj == 15:
                @pl.when(sb < NBLK // 2 - 1)
                def _():
                    dstload(2 * sb + 3, 1, d1).start()
        return 0

    lax.fori_loop(0, NBLK // 2, body, 0)
    plsc.subcore_barrier()

    def wbody(t, _):
        i = t * NS + s

        @pl.when(i < NZB)
        def _():
            pltpu.sync_copy(acc_sh.at[pl.ds(i * ZR, ZR)],
                            out_hbm.at[c].at[pl.ds(i * ZR, ZR)])
        return 0

    lax.fori_loop(0, ZPT, wbody, 0)


def _scat_call(hs, srcp, dstp):
    return pl.kernel(
        _scat_body,
        out_type=jax.ShapeDtypeStruct((NC, N, D), jnp.float32),
        mesh=_mesh(),
        scratch_types=[
            pltpu.VMEM_SHARED((ACC_ROWS, D), jnp.float32),
            pltpu.VMEM((EPTP,), jnp.int32),
            pltpu.VMEM((8, CH), jnp.int32),
            pltpu.VMEM((8, CH), jnp.int32),
            pltpu.VMEM((CH, D), jnp.float32),
            pltpu.VMEM((CH, D), jnp.float32),
            pltpu.SemaphoreType.DMA,
            pltpu.SemaphoreType.DMA,
            pltpu.SemaphoreType.DMA,
            pltpu.SemaphoreType.DMA,
        ],
        compiler_params=pltpu.CompilerParams(needs_layout_passes=False),
    )(hs, srcp, dstp)


BR = 2000


def _pre_body(x_ref, w_ref, degp_ref, hs_ref):
    deg = jnp.sum(degp_ref[...], axis=1).astype(jnp.float32) + 1.0
    dinv = lax.rsqrt(deg)
    h = jnp.dot(x_ref[...], w_ref[...], preferred_element_type=jnp.float32)
    hs_ref[...] = h * dinv[:, None]


def _pre_call(x, W, degp_t):
    grid = (N // BR,)
    return pl.pallas_call(
        _pre_body,
        grid=grid,
        in_specs=[
            pl.BlockSpec((BR, D), lambda i: (i, 0)),
            pl.BlockSpec((D, D), lambda i: (0, 0)),
            pl.BlockSpec((BR, NW), lambda i: (i, 0)),
        ],
        out_specs=pl.BlockSpec((BR, D), lambda i: (i, 0)),
        out_shape=jax.ShapeDtypeStruct((N, D), jnp.float32),
    )(x, W, degp_t)


def _post_body(s01_ref, hs_ref, x_ref, degp_ref, b_ref, g_ref, bt_ref,
               out_ref):
    deg = jnp.sum(degp_ref[...], axis=1).astype(jnp.float32) + 1.0
    dinv = lax.rsqrt(deg)
    ssum = s01_ref[0] + s01_ref[1]
    pre = dinv[:, None] * (ssum + hs_ref[...]) + b_ref[...]
    h = jnp.maximum(pre, 0.0) + x_ref[...]
    mean = jnp.mean(h, axis=-1, keepdims=True)
    hc = h - mean
    var = jnp.mean(hc * hc, axis=-1, keepdims=True)
    out_ref[...] = hc * lax.rsqrt(var + EPS) * g_ref[...] + bt_ref[...]


def _post_call(s01, hs, x, degp_t, b, gamma, beta):
    grid = (N // BR,)
    return pl.pallas_call(
        _post_body,
        grid=grid,
        in_specs=[
            pl.BlockSpec((2, BR, D), lambda i: (0, i, 0)),
            pl.BlockSpec((BR, D), lambda i: (i, 0)),
            pl.BlockSpec((BR, D), lambda i: (i, 0)),
            pl.BlockSpec((BR, NW), lambda i: (i, 0)),
            pl.BlockSpec((1, D), lambda i: (0, 0)),
            pl.BlockSpec((1, D), lambda i: (0, 0)),
            pl.BlockSpec((1, D), lambda i: (0, 0)),
        ],
        out_specs=pl.BlockSpec((BR, D), lambda i: (i, 0)),
        out_shape=jax.ShapeDtypeStruct((N, D), jnp.float32),
    )(s01, hs, x, degp_t, b[None, :], gamma[None, :], beta[None, :])


def kernel(x, edge_index, W, b, gamma, beta):
    src = edge_index[0].astype(jnp.int32)
    dst = edge_index[1].astype(jnp.int32)
    pad_src = (jnp.arange(NW * PAD, dtype=jnp.int32) * 37 % N).reshape(NW, PAD)
    srcp = jnp.concatenate([src.reshape(NW, EPT), pad_src], axis=1)
    trash = (TRASH + (jnp.arange(NW, dtype=jnp.int32) % NS)[:, None] * 16
             + jnp.arange(PAD, dtype=jnp.int32)[None, :] % 16)
    dstp = jnp.concatenate(
        [dst.reshape(NW, EPT), trash], axis=1).reshape(NW, NBLK, 8, CH)

    degp_t = jnp.transpose(_deg_call(dst))
    hs = _pre_call(x, W, degp_t)
    s01 = _scat_call(hs, srcp, dstp)
    return _post_call(s01, hs, x, degp_t, b, gamma, beta)

# --- scband reference (transcript-rebuilt; emitter-appended) ---
"""Pipeline reference for scband-ti-sasgnn-75290776699105 (READ-ONLY COPY).

The authoritative reference and input builder live on the scoring server;
editing this copy changes nothing except your own understanding.
"""

import jax, jax.numpy as jnp
import numpy as np

N_NODES = 10000
N_EDGES = 320000
D = 128
EPS = 1e-08


def setup_inputs(seed: int = 0) -> dict:
    key = jax.random.key(seed)
    k1, k2, k3 = jax.random.split(key, 3)
    x = jax.random.normal(k1, (N_NODES, D), dtype=jnp.float32)
    edge_index = jax.random.randint(k2, (2, N_EDGES), 0, N_NODES, dtype=jnp.int64)
    # GCNConv learned parameters (lin weight + bias)
    W = jax.random.normal(k3, (D, D), dtype=jnp.float32) * 0.05
    b = jnp.zeros((D,), dtype=jnp.float32)
    # LayerNorm parameters
    gamma = jnp.ones((D,), dtype=jnp.float32)
    beta = jnp.zeros((D,), dtype=jnp.float32)
    return {"x": x, "edge_index": edge_index, "W": W, "b": b, "gamma": gamma, "beta": beta}


def _gcn_conv(x, edge_index, W, b, num_nodes):
    # x' = D^{-1/2} (A + I) D^{-1/2} x W + b  (PyG GCNConv with self-loops)
    h = x @ W
    loop = jnp.arange(num_nodes, dtype=edge_index.dtype)
    src = jnp.concatenate([edge_index[0], loop])
    dst = jnp.concatenate([edge_index[1], loop])
    ones = jnp.ones(src.shape[0], dtype=x.dtype)
    deg = jax.ops.segment_sum(ones, dst, num_segments=num_nodes)
    dinv = jnp.where(deg > 0, 1.0 / jnp.sqrt(deg), 0.0)
    norm = dinv[src] * dinv[dst]
    msg = h[src] * norm[:, None]
    agg = jax.ops.segment_sum(msg, dst, num_segments=num_nodes)
    return agg + b


def reference(x, edge_index, W, b, gamma, beta):
    residual = x
    h = _gcn_conv(x, edge_index, W, b, N_NODES)
    h = jax.nn.relu(h)
    # dropout is identity in eval / with p=0.0
    h = h + residual
    mean = jnp.mean(h, axis=-1, keepdims=True)
    var = jnp.mean((h - mean) ** 2, axis=-1, keepdims=True)
    out = (h - mean) / jnp.sqrt(var + EPS) * gamma + beta
    return out

if __name__ == "__main__":
    import jax
    _d = setup_inputs()
    print(jax.jit(kernel)(*tuple(_d.values())))

</pallas_src>

<mosaic_0001>
#map = affine_map<(d0, d1) -> (0)>
#map1 = affine_map<(d0, d1) -> (0, 0)>
module attributes {stable_mosaic.version = 14 : i64} {
  func.func @_deg_body(%arg0: i32, %arg1: i32, %arg2: memref<320000xi32, #tpu.memory_space<hbm>>, %arg3: memref<32x10000xi32, #tpu.memory_space<hbm>>, %arg4: memref<10000xi32, #tpu.memory_space<vmem>>, %arg5: memref<10000xi32, #tpu.memory_space<vmem>>) attributes {dimension_semantics = [#tpu.dimension_semantics<core_parallel>, #tpu.dimension_semantics<subcore_parallel>], iteration_bounds = array<i64: 2, 16>, scalar_prefetch = 0 : i64, scratch_operands = 2 : i64, tpu.core_type = #tpu.core_type<sc_vector_subcore>, window_params = [{transform_indices = #map}, {transform_indices = #map1}]} {
    %mul3A = arith.constant 16 : i32
    %mul3A_0 = arith.muli %arg0, %mul3A : i32
    %add3A = arith.addi %mul3A_0, %arg1 : i32
    %mul3A_1 = arith.constant 10000 : i32
    %mul3A_2 = arith.muli %add3A, %mul3A_1 : i32
    "tpu.region"() ({
      %run_scoped3A = tpu.sem_alloc : memref<!tpu.dma_semaphore, #tpu.memory_space<semaphore_mem>>
      %dma_start3A = tpu.memref_slice %arg2[%mul3A_2] : memref<320000xi32, #tpu.memory_space<hbm>> -> memref<10000xi32, #tpu.memory_space<hbm>>
      %dma_start3A_19 = tpu.memref_slice %arg2[%mul3A_2] : memref<320000xi32, #tpu.memory_space<hbm>> -> memref<10000xi32, #tpu.memory_space<hbm>>
      tpu.enqueue_dma source(%dma_start3A_19 : memref<10000xi32, #tpu.memory_space<hbm>>) target(%arg4 : memref<10000xi32, #tpu.memory_space<vmem>>) target_semaphore(%run_scoped3A : memref<!tpu.dma_semaphore, #tpu.memory_space<semaphore_mem>>)
      %dma_wait3A = tpu.memref_slice %arg2[%mul3A_2] : memref<320000xi32, #tpu.memory_space<hbm>> -> memref<10000xi32, #tpu.memory_space<hbm>>
      %dma_wait3A_20 = tpu.memref_slice %arg2[%mul3A_2] : memref<320000xi32, #tpu.memory_space<hbm>> -> memref<10000xi32, #tpu.memory_space<hbm>>
      tpu.wait_dma2 semaphore(%run_scoped3A : memref<!tpu.dma_semaphore, #tpu.memory_space<semaphore_mem>>) src(%dma_wait3A_20 : memref<10000xi32, #tpu.memory_space<hbm>>) dst(%arg4 : memref<10000xi32, #tpu.memory_space<vmem>>)
      tpu.yield
    }) : () -> ()
    %broadcast_in_dim3A = arith.constant 0 : i32
    %broadcast_in_dim3A_3 = vector.broadcast %broadcast_in_dim3A : i32 to vector<16xi32>
    %scan3A = arith.constant 0 : i32
    %scan3A_4 = arith.constant 0 : i32
    %scan3A_5 = arith.constant 625 : i32
    %scan3A_6 = arith.addi %scan3A_4, %scan3A_5 : i32
    %scan3A_7 = arith.constant 1 : i32
    %scan3A_8 = scf.for %scan3A_19 = %scan3A_4 to %scan3A_6 step %scan3A_7 iter_args(%scan3A_20 = %scan3A) -> (i32)  : i32 {
      %mul3A_21 = arith.constant 16 : i32
      %mul3A_22 = arith.muli %scan3A_19, %mul3A_21 : i32
      %swap3A = arith.index_cast %mul3A_22 : i32 to index
      %swap3A_23 = tpu.vector_load %arg5[%swap3A] {strides = array<i32>} : memref<10000xi32, #tpu.memory_space<vmem>>, vector<16xi32>,
      tpu.vector_store %arg5[%swap3A], %broadcast_in_dim3A_3 {strides = array<i32>} : memref<10000xi32, #tpu.memory_space<vmem>>, vector<16xi32>,
      %scan3A_24 = arith.constant 0 : i32
      scf.yield %scan3A_24 : i32
    }
    %scan3A_9 = arith.constant 625 : i32
    %broadcast_in_dim3A_10 = arith.constant 1 : i32
    %broadcast_in_dim3A_11 = vector.broadcast %broadcast_in_dim3A_10 : i32 to vector<16xi32>
    %scan3A_12 = arith.constant 0 : i32
    %scan3A_13 = arith.constant 0 : i32
    %scan3A_14 = arith.constant 625 : i32
    %scan3A_15 = arith.addi %scan3A_13, %scan3A_14 : i32
    %scan3A_16 = arith.constant 1 : i32
    %scan3A_17 = scf.for %scan3A_19 = %scan3A_13 to %scan3A_15 step %scan3A_16 iter_args(%scan3A_20 = %scan3A_12) -> (i32)  : i32 {
      %mul3A_21 = arith.constant 16 : i32
      %mul3A_22 = arith.muli %scan3A_19, %mul3A_21 : i32
      %get3A = arith.index_cast %mul3A_22 : i32 to index
      %get3A_23 = tpu.vector_load %arg4[%get3A] {strides = array<i32>} : memref<10000xi32, #tpu.memory_space<vmem>>, vector<16xi32>,
      tpu.vector_store_idx %arg5[%get3A_23], %broadcast_in_dim3A_11 {add = true} : memref<10000xi32, #tpu.memory_space<vmem>>[vector<16xi32>], vector<16xi32>,
      %scan3A_24 = arith.constant 0 : i32
      scf.yield %scan3A_24 : i32
    }
    %scan3A_18 = arith.constant 625 : i32
    "tpu.region"() ({
      %run_scoped3A = tpu.sem_alloc : memref<!tpu.dma_semaphore, #tpu.memory_space<semaphore_mem>>
      %dma_start3A = arith.constant 0 : i32
      %dma_start3A_19 = tpu.memref_slice %arg3[%add3A, %dma_start3A] : memref<32x10000xi32, #tpu.memory_space<hbm>> -> memref<1x10000xi32, #tpu.memory_space<hbm>>
      %dma_start3A_20 = tpu.memref_squeeze %dma_start3A_19 : memref<1x10000xi32, #tpu.memory_space<hbm>> -> memref<10000xi32, #tpu.memory_space<hbm>>
      %dma_start3A_21 = arith.constant 0 : i32
      %dma_start3A_22 = tpu.memref_slice %arg3[%add3A, %dma_start3A_21] : memref<32x10000xi32, #tpu.memory_space<hbm>> -> memref<1x10000xi32, #tpu.memory_space<hbm>>
      %dma_start3A_23 = tpu.memref_squeeze %dma_start3A_22 : memref<1x10000xi32, #tpu.memory_space<hbm>> -> memref<10000xi32, #tpu.memory_space<hbm>>
      tpu.enqueue_dma source(%arg5 : memref<10000xi32, #tpu.memory_space<vmem>>) target(%dma_start3A_23 : memref<10000xi32, #tpu.memory_space<hbm>>) target_semaphore(%run_scoped3A : memref<!tpu.dma_semaphore, #tpu.memory_space<semaphore_mem>>)
      %dma_wait3A = arith.constant 0 : i32
      %dma_wait3A_24 = tpu.memref_slice %arg3[%add3A, %dma_wait3A] : memref<32x10000xi32, #tpu.memory_space<hbm>> -> memref<1x10000xi32, #tpu.memory_space<hbm>>
      %dma_wait3A_25 = tpu.memref_squeeze %dma_wait3A_24 : memref<1x10000xi32, #tpu.memory_space<hbm>> -> memref<10000xi32, #tpu.memory_space<hbm>>
      %dma_wait3A_26 = arith.constant 0 : i32
      %dma_wait3A_27 = tpu.memref_slice %arg3[%add3A, %dma_wait3A_26] : memref<32x10000xi32, #tpu.memory_space<hbm>> -> memref<1x10000xi32, #tpu.memory_space<hbm>>
      %dma_wait3A_28 = tpu.memref_squeeze %dma_wait3A_27 : memref<1x10000xi32, #tpu.memory_space<hbm>> -> memref<10000xi32, #tpu.memory_space<hbm>>
      tpu.wait_dma2 semaphore(%run_scoped3A : memref<!tpu.dma_semaphore, #tpu.memory_space<semaphore_mem>>) src(%arg5 : memref<10000xi32, #tpu.memory_space<vmem>>) dst(%dma_wait3A_28 : memref<10000xi32, #tpu.memory_space<hbm>>)
      tpu.yield
    }) : () -> ()
    return
  }
}

#map = affine_map<(d0, d1) -> (0, 0)>
#map1 = affine_map<(d0, d1) -> (0, 0, 0, 0)>
#map2 = affine_map<(d0, d1) -> (0, 0, 0)>
module attributes {stable_mosaic.version = 14 : i64} {
  func.func @_scat_body(%arg0: i32, %arg1: i32, %arg2: memref<10000x128xf32, #tpu.memory_space<hbm>>, %arg3: memref<32x10240xi32, #tpu.memory_space<hbm>>, %arg4: memref<32x10x8x128xi32, #tpu.memory_space<hbm>>, %arg5: memref<2x10000x128xf32, #tpu.memory_space<hbm>>, %arg6: memref<10256x128xf32, #tpu.memory_space<vmem_shared>>, %arg7: memref<10240xi32, #tpu.memory_space<vmem>>, %arg8: memref<8x128xi32, #tpu.memory_space<vmem>>, %arg9: memref<8x128xi32, #tpu.memory_space<vmem>>, %arg10: memref<128x128xf32, #tpu.memory_space<vmem>>, %arg11: memref<128x128xf32, #tpu.memory_space<vmem>>, %arg12: memref<!tpu.dma_semaphore, #tpu.memory_space<semaphore_mem>>, %arg13: memref<!tpu.dma_semaphore, #tpu.memory_space<semaphore_mem>>, %arg14: memref<!tpu.dma_semaphore, #tpu.memory_space<semaphore_mem>>, %arg15: memref<!tpu.dma_semaphore, #tpu.memory_space<semaphore_mem>>) attributes {dimension_semantics = [#tpu.dimension_semantics<core_parallel>, #tpu.dimension_semantics<subcore_parallel>], iteration_bounds = array<i64: 2, 16>, scalar_prefetch = 0 : i64, scratch_operands = 10 : i64, tpu.core_type = #tpu.core_type<sc_vector_subcore>, window_params = [{transform_indices = #map}, {transform_indices = #map}, {transform_indices = #map1}, {transform_indices = #map2}]} {
    %mul3A = arith.constant 16 : i32
    %mul3A_0 = arith.muli %arg0, %mul3A : i32
    %add3A = arith.addi %mul3A_0, %arg1 : i32
    %broadcast_in_dim3A = arith.constant 0.000000e+00 : f32
    %broadcast_in_dim3A_1 = vector.broadcast %broadcast_in_dim3A : f32 to vector<16xf32>
    %scan3A = arith.constant 0 : i32
    %scan3A_2 = arith.constant 0 : i32
    %scan3A_3 = arith.constant 1024 : i32
    %scan3A_4 = arith.addi %scan3A_2, %scan3A_3 : i32
    %scan3A_5 = arith.constant 1 : i32
    %scan3A_6 = scf.for %scan3A_72 = %scan3A_2 to %scan3A_4 step %scan3A_5 iter_args(%scan3A_73 = %scan3A) -> (i32)  : i32 {
      %jit3A = arith.constant 8 : i32
      %div3A = arith.divsi %scan3A_72, %jit3A : i32
      %sign3A = arith.constant 0 : i32
      %sign3A_74 = arith.cmpi sgt, %scan3A_72, %sign3A : i32
      %sign3A_75 = arith.extui %sign3A_74 : i1 to i32
      %sign3A_76 = arith.constant 0 : i32
      %sign3A_77 = arith.cmpi slt, %scan3A_72, %sign3A_76 : i32
      %sign3A_78 = arith.extui %sign3A_77 : i1 to i32
      %sign3A_79 = arith.subi %sign3A_75, %sign3A_78 : i32
      %sign3A_80 = arith.constant 0 : i32
      %sign3A_81 = arith.cmpi sgt, %jit3A, %sign3A_80 : i32
      %sign3A_82 = arith.extui %sign3A_81 : i1 to i32
      %sign3A_83 = arith.constant 0 : i32
      %sign3A_84 = arith.cmpi slt, %jit3A, %sign3A_83 : i32
      %sign3A_85 = arith.extui %sign3A_84 : i1 to i32
      %sign3A_86 = arith.subi %sign3A_82, %sign3A_85 : i32
      %ne3A = arith.cmpi ne, %sign3A_79, %sign3A_86 : i32
      %rem3A = arith.remsi %scan3A_72, %jit3A : i32
      %ne3A_87 = arith.constant 0 : i32
      %ne3A_88 = arith.cmpi ne, %rem3A, %ne3A_87 : i32
      %and3A = arith.andi %ne3A, %ne3A_88 : i1
      %sub3A = arith.constant 1 : i32
      %sub3A_89 = arith.subi %div3A, %sub3A : i32
      %select_n3A = arith.select %and3A, %sub3A_89, %div3A : i32
      %jit3A_90 = arith.constant 8 : i32
      %eq3A = arith.constant 0 : i32
      %eq3A_91 = arith.cmpi eq, %jit3A_90, %eq3A : i32
      %jit3A_92 = arith.constant 1 : i32
      %select_n3A_93 = arith.select %eq3A_91, %jit3A_92, %jit3A_90 : i32
      %rem3A_94 = arith.remsi %scan3A_72, %select_n3A_93 : i32
      %ne3A_95 = arith.constant 0 : i32
      %ne3A_96 = arith.cmpi ne, %rem3A_94, %ne3A_95 : i32
      %lt3A = arith.constant 0 : i32
      %lt3A_97 = arith.cmpi slt, %rem3A_94, %lt3A : i32
      %lt3A_98 = arith.constant 0 : i32
      %lt3A_99 = arith.cmpi slt, %select_n3A_93, %lt3A_98 : i32
      %ne3A_100 = arith.xori %lt3A_97, %lt3A_99 : i1
      %and3A_101 = arith.andi %ne3A_100, %ne3A_96 : i1
      %add3A_102 = arith.addi %rem3A_94, %select_n3A_93 : i32
      %select_n3A_103 = arith.select %and3A_101, %add3A_102, %rem3A_94 : i32
      %mul3A_104 = arith.constant 16 : i32
      %mul3A_105 = arith.muli %select_n3A_103, %mul3A_104 : i32
      %swap3A = arith.index_cast %select_n3A : i32 to index
      %swap3A_106 = arith.index_cast %mul3A_105 : i32 to index
      %swap3A_107 = tpu.vector_load %arg10[%swap3A, %swap3A_106] {strides = array<i32>} : memref<128x128xf32, #tpu.memory_space<vmem>>, vector<16xf32>,
      tpu.vector_store %arg10[%swap3A, %swap3A_106], %broadcast_in_dim3A_1 {strides = array<i32>} : memref<128x128xf32, #tpu.memory_space<vmem>>, vector<16xf32>,
      %scan3A_108 = arith.constant 0 : i32
      scf.yield %scan3A_108 : i32
    }
    %scan3A_7 = arith.constant 1024 : i32
    %scan3A_8 = arith.constant 0 : i32
    %scan3A_9 = arith.constant 0 : i32
    %scan3A_10 = arith.constant 40 : i32
    %scan3A_11 = arith.addi %scan3A_9, %scan3A_10 : i32
    %scan3A_12 = arith.constant 1 : i32
    %scan3A_13 = scf.for %scan3A_72 = %scan3A_9 to %scan3A_11 step %scan3A_12 iter_args(%scan3A_73 = %scan3A_8) -> (i32)  : i32 {
      %mul3A_74 = arith.constant 16 : i32
      %mul3A_75 = arith.muli %scan3A_72, %mul3A_74 : i32
      %add3A_76 = arith.addi %mul3A_75, %arg1 : i32
      %lt3A = arith.constant 625 : i32
      %lt3A_77 = arith.cmpi slt, %add3A_76, %lt3A : i32
      %convert_element_type3A = arith.extui %lt3A_77 : i1 to i32
      %cond3A = arith.constant 0 : i32
      %cond3A_78 = arith.cmpi ne, %convert_element_type3A, %cond3A : i32
      scf.if %cond3A_78 {
        %mul3A_80 = arith.constant 16 : i32
        %mul3A_81 = arith.muli %add3A_76, %mul3A_80 : i32
        "tpu.region"() ({
          %run_scoped3A = tpu.sem_alloc : memref<!tpu.dma_semaphore, #tpu.memory_space<semaphore_mem>>
          %dma_start3A_82 = arith.constant 0 : i32
          %dma_start3A_83 = arith.constant 0 : i32
          %dma_start3A_84 = tpu.memref_slice %arg10[%dma_start3A_82, %dma_start3A_83] : memref<128x128xf32, #tpu.memory_space<vmem>> -> memref<16x128xf32, #tpu.memory_space<vmem>>
          %dma_start3A_85 = arith.constant 0 : i32
          %dma_start3A_86 = tpu.memref_slice %arg6[%mul3A_81, %dma_start3A_85] : memref<10256x128xf32, #tpu.memory_space<vmem_shared>> -> memref<16x128xf32, #tpu.memory_space<vmem_shared>>
          %dma_start3A_87 = arith.constant 0 : i32
          %dma_start3A_88 = tpu.memref_slice %arg6[%mul3A_81, %dma_start3A_87] : memref<10256x128xf32, #tpu.memory_space<vmem_shared>> -> memref<16x128xf32, #tpu.memory_space<vmem_shared>>
          %dma_start3A_89 = arith.constant 0 : i32
          %dma_start3A_90 = arith.constant 0 : i32
          %dma_start3A_91 = tpu.memref_slice %arg10[%dma_start3A_89, %dma_start3A_90] : memref<128x128xf32, #tpu.memory_space<vmem>> -> memref<16x128xf32, #tpu.memory_space<vmem>>
          tpu.enqueue_dma source(%dma_start3A_91 : memref<16x128xf32, #tpu.memory_space<vmem>>) target(%dma_start3A_88 : memref<16x128xf32, #tpu.memory_space<vmem_shared>>) target_semaphore(%run_scoped3A : memref<!tpu.dma_semaphore, #tpu.memory_space<semaphore_mem>>)
          %dma_wait3A = arith.constant 0 : i32
          %dma_wait3A_92 = arith.constant 0 : i32
          %dma_wait3A_93 = tpu.memref_slice %arg10[%dma_wait3A, %dma_wait3A_92] : memref<128x128xf32, #tpu.memory_space<vmem>> -> memref<16x128xf32, #tpu.memory_space<vmem>>
          %dma_wait3A_94 = arith.constant 0 : i32
          %dma_wait3A_95 = tpu.memref_slice %arg6[%mul3A_81, %dma_wait3A_94] : memref<10256x128xf32, #tpu.memory_space<vmem_shared>> -> memref<16x128xf32, #tpu.memory_space<vmem_shared>>
          %dma_wait3A_96 = arith.constant 0 : i32
          %dma_wait3A_97 = tpu.memref_slice %arg6[%mul3A_81, %dma_wait3A_96] : memref<10256x128xf32, #tpu.memory_space<vmem_shared>> -> memref<16x128xf32, #tpu.memory_space<vmem_shared>>
          %dma_wait3A_98 = arith.constant 0 : i32
          %dma_wait3A_99 = arith.constant 0 : i32
          %dma_wait3A_100 = tpu.memref_slice %arg10[%dma_wait3A_98, %dma_wait3A_99] : memref<128x128xf32, #tpu.memory_space<vmem>> -> memref<16x128xf32, #tpu.memory_space<vmem>>
          tpu.wait_dma2 semaphore(%run_scoped3A : memref<!tpu.dma_semaphore, #tpu.memory_space<semaphore_mem>>) src(%dma_wait3A_100 : memref<16x128xf32, #tpu.memory_space<vmem>>) dst(%dma_wait3A_97 : memref<16x128xf32, #tpu.memory_space<vmem_shared>>)
          tpu.yield
        }) : () -> ()
      } else {
      }
      %scan3A_79 = arith.constant 0 : i32
      scf.yield %scan3A_79 : i32
    }
    %scan3A_14 = arith.constant 40 : i32
    %barrier3A = arith.constant 0 : index
    tpu.barrier barrier_id(%barrier3A)
    "tpu.region"() ({
      %run_scoped3A = tpu.sem_alloc : memref<!tpu.dma_semaphore, #tpu.memory_space<semaphore_mem>>
      %dma_start3A_72 = arith.constant 0 : i32
      %dma_start3A_73 = tpu.memref_slice %arg3[%add3A, %dma_start3A_72] : memref<32x10240xi32, #tpu.memory_space<hbm>> -> memref<1x10240xi32, #tpu.memory_space<hbm>>
      %dma_start3A_74 = tpu.memref_squeeze %dma_start3A_73 : memref<1x10240xi32, #tpu.memory_space<hbm>> -> memref<10240xi32, #tpu.memory_space<hbm>>
      %dma_start3A_75 = arith.constant 0 : i32
      %dma_start3A_76 = tpu.memref_slice %arg3[%add3A, %dma_start3A_75] : memref<32x10240xi32, #tpu.memory_space<hbm>> -> memref<1x10240xi32, #tpu.memory_space<hbm>>
      %dma_start3A_77 = tpu.memref_squeeze %dma_start3A_76 : memref<1x10240xi32, #tpu.memory_space<hbm>> -> memref<10240xi32, #tpu.memory_space<hbm>>
      tpu.enqueue_dma source(%dma_start3A_77 : memref<10240xi32, #tpu.memory_space<hbm>>) target(%arg7 : memref<10240xi32, #tpu.memory_space<vmem>>) target_semaphore(%run_scoped3A : memref<!tpu.dma_semaphore, #tpu.memory_space<semaphore_mem>>)
      %dma_wait3A = arith.constant 0 : i32
      %dma_wait3A_78 = tpu.memref_slice %arg3[%add3A, %dma_wait3A] : memref<32x10240xi32, #tpu.memory_space<hbm>> -> memref<1x10240xi32, #tpu.memory_space<hbm>>
      %dma_wait3A_79 = tpu.memref_squeeze %dma_wait3A_78 : memref<1x10240xi32, #tpu.memory_space<hbm>> -> memref<10240xi32, #tpu.memory_space<hbm>>
      %dma_wait3A_80 = arith.constant 0 : i32
      %dma_wait3A_81 = tpu.memref_slice %arg3[%add3A, %dma_wait3A_80] : memref<32x10240xi32, #tpu.memory_space<hbm>> -> memref<1x10240xi32, #tpu.memory_space<hbm>>
      %dma_wait3A_82 = tpu.memref_squeeze %dma_wait3A_81 : memref<1x10240xi32, #tpu.memory_space<hbm>> -> memref<10240xi32, #tpu.memory_space<hbm>>
      tpu.wait_dma2 semaphore(%run_scoped3A : memref<!tpu.dma_semaphore, #tpu.memory_space<semaphore_mem>>) src(%dma_wait3A_82 : memref<10240xi32, #tpu.memory_space<hbm>>) dst(%arg7 : memref<10240xi32, #tpu.memory_space<vmem>>)
      tpu.yield
    }) : () -> ()
    %dma_start3A = arith.constant 0 : i32
    %dma_start3A_15 = arith.constant 0 : i32
    %dma_start3A_16 = arith.constant 0 : i32
    %dma_start3A_17 = arith.constant 0 : i32
    %dma_start3A_18 = tpu.memref_slice %arg4[%add3A, %dma_start3A_15, %dma_start3A_16, %dma_start3A_17] : memref<32x10x8x128xi32, #tpu.memory_space<hbm>> -> memref<1x10x8x128xi32, #tpu.memory_space<hbm>>
    %dma_start3A_19 = tpu.memref_squeeze %dma_start3A_18 : memref<1x10x8x128xi32, #tpu.memory_space<hbm>> -> memref<10x8x128xi32, #tpu.memory_space<hbm>>
    %dma_start3A_20 = arith.constant 0 : i32
    %dma_start3A_21 = arith.constant 0 : i32
    %dma_start3A_22 = tpu.memref_slice %dma_start3A_19[%dma_start3A, %dma_start3A_20, %dma_start3A_21] : memref<10x8x128xi32, #tpu.memory_space<hbm>> -> memref<1x8x128xi32, #tpu.memory_space<hbm>>
    %dma_start3A_23 = tpu.memref_squeeze %dma_start3A_22 : memref<1x8x128xi32, #tpu.memory_space<hbm>> -> memref<8x128xi32, #tpu.memory_space<hbm>>
    %dma_start3A_24 = arith.constant 0 : i32
    %dma_start3A_25 = arith.constant 0 : i32
    %dma_start3A_26 = arith.constant 0 : i32
    %dma_start3A_27 = tpu.memref_slice %arg4[%add3A, %dma_start3A_24, %dma_start3A_25, %dma_start3A_26] : memref<32x10x8x128xi32, #tpu.memory_space<hbm>> -> memref<1x10x8x128xi32, #tpu.memory_space<hbm>>
    %dma_start3A_28 = tpu.memref_squeeze %dma_start3A_27 : memref<1x10x8x128xi32, #tpu.memory_space<hbm>> -> memref<10x8x128xi32, #tpu.memory_space<hbm>>
    %dma_start3A_29 = arith.constant 0 : i32
    %dma_start3A_30 = arith.constant 0 : i32
    %dma_start3A_31 = tpu.memref_slice %dma_start3A_28[%dma_start3A, %dma_start3A_29, %dma_start3A_30] : memref<10x8x128xi32, #tpu.memory_space<hbm>> -> memref<1x8x128xi32, #tpu.memory_space<hbm>>
    %dma_start3A_32 = tpu.memref_squeeze %dma_start3A_31 : memref<1x8x128xi32, #tpu.memory_space<hbm>> -> memref<8x128xi32, #tpu.memory_space<hbm>>
    tpu.enqueue_dma source(%dma_start3A_32 : memref<8x128xi32, #tpu.memory_space<hbm>>) target(%arg8 : memref<8x128xi32, #tpu.memory_space<vmem>>) target_semaphore(%arg14 : memref<!tpu.dma_semaphore, #tpu.memory_space<semaphore_mem>>)
    %dma_start3A_33 = arith.constant 1 : i32
    %dma_start3A_34 = arith.constant 0 : i32
    %dma_start3A_35 = arith.constant 0 : i32
    %dma_start3A_36 = arith.constant 0 : i32
    %dma_start3A_37 = tpu.memref_slice %arg4[%add3A, %dma_start3A_34, %dma_start3A_35, %dma_start3A_36] : memref<32x10x8x128xi32, #tpu.memory_space<hbm>> -> memref<1x10x8x128xi32, #tpu.memory_space<hbm>>
    %dma_start3A_38 = tpu.memref_squeeze %dma_start3A_37 : memref<1x10x8x128xi32, #tpu.memory_space<hbm>> -> memref<10x8x128xi32, #tpu.memory_space<hbm>>
    %dma_start3A_39 = arith.constant 0 : i32
    %dma_start3A_40 = arith.constant 0 : i32
    %dma_start3A_41 = tpu.memref_slice %dma_start3A_38[%dma_start3A_33, %dma_start3A_39, %dma_start3A_40] : memref<10x8x128xi32, #tpu.memory_space<hbm>> -> memref<1x8x128xi32, #tpu.memory_space<hbm>>
    %dma_start3A_42 = tpu.memref_squeeze %dma_start3A_41 : memref<1x8x128xi32, #tpu.memory_space<hbm>> -> memref<8x128xi32, #tpu.memory_space<hbm>>
    %dma_start3A_43 = arith.constant 0 : i32
    %dma_start3A_44 = arith.constant 0 : i32
    %dma_start3A_45 = arith.constant 0 : i32
    %dma_start3A_46 = tpu.memref_slice %arg4[%add3A, %dma_start3A_43, %dma_start3A_44, %dma_start3A_45] : memref<32x10x8x128xi32, #tpu.memory_space<hbm>> -> memref<1x10x8x128xi32, #tpu.memory_space<hbm>>
    %dma_start3A_47 = tpu.memref_squeeze %dma_start3A_46 : memref<1x10x8x128xi32, #tpu.memory_space<hbm>> -> memref<10x8x128xi32, #tpu.memory_space<hbm>>
    %dma_start3A_48 = arith.constant 0 : i32
    %dma_start3A_49 = arith.constant 0 : i32
    %dma_start3A_50 = tpu.memref_slice %dma_start3A_47[%dma_start3A_33, %dma_start3A_48, %dma_start3A_49] : memref<10x8x128xi32, #tpu.memory_space<hbm>> -> memref<1x8x128xi32, #tpu.memory_space<hbm>>
    %dma_start3A_51 = tpu.memref_squeeze %dma_start3A_50 : memref<1x8x128xi32, #tpu.memory_space<hbm>> -> memref<8x128xi32, #tpu.memory_space<hbm>>
    tpu.enqueue_dma source(%dma_start3A_51 : memref<8x128xi32, #tpu.memory_space<hbm>>) target(%arg9 : memref<8x128xi32, #tpu.memory_space<vmem>>) target_semaphore(%arg15 : memref<!tpu.dma_semaphore, #tpu.memory_space<semaphore_mem>>)
    %dma_start3A_52 = arith.constant 0 : i32
    %dma_start3A_53 = tpu.memref_slice %arg7[%dma_start3A_52] : memref<10240xi32, #tpu.memory_space<vmem>> -> memref<128xi32, #tpu.memory_space<vmem>>
    %dma_start3A_54 = arith.constant 0 : i32
    %dma_start3A_55 = arith.constant 0 : i32
    %dma_start3A_56 = tpu.memref_slice %arg2[%dma_start3A_54, %dma_start3A_55] : memref<10000x128xf32, #tpu.memory_space<hbm>> -> memref<10000x128xf32, #tpu.memory_space<hbm>>
    tpu.enqueue_indirect_dma source(%dma_start3A_56 : memref<10000x128xf32, #tpu.memory_space<hbm>>) target(%arg10 : memref<128x128xf32, #tpu.memory_space<vmem>>) offsets(%dma_start3A_53 : memref<128xi32, #tpu.memory_space<vmem>>) semaphore(%arg12 : memref<!tpu.dma_semaphore, #tpu.memory_space<semaphore_mem>>)
    %scan3A_57 = arith.constant 0 : i32
    %scan3A_58 = arith.constant 0 : i32
    %scan3A_59 = arith.constant 5 : i32
    %scan3A_60 = arith.addi %scan3A_58, %scan3A_59 : i32
    %scan3A_61 = arith.constant 1 : i32
    %scan3A_62 = scf.for %scan3A_72 = %scan3A_58 to %scan3A_60 step %scan3A_61 iter_args(%scan3A_73 = %scan3A_57) -> (i32)  : i32 {
      %mul3A_74 = arith.constant 16 : i32
      %mul3A_75 = arith.muli %scan3A_72, %mul3A_74 : i32
      %add3A_76 = arith.constant 0 : i32
      %add3A_77 = arith.addi %mul3A_75, %add3A_76 : i32
      %dma_wait3A = arith.constant 0 : i32
      %dma_wait3A_78 = arith.constant 0 : i32
      %dma_wait3A_79 = arith.constant 0 : i32
      %dma_wait3A_80 = arith.constant 0 : i32
      %dma_wait3A_81 = tpu.memref_slice %arg4[%add3A, %dma_wait3A_78, %dma_wait3A_79, %dma_wait3A_80] : memref<32x10x8x128xi32, #tpu.memory_space<hbm>> -> memref<1x10x8x128xi32, #tpu.memory_space<hbm>>
      %dma_wait3A_82 = tpu.memref_squeeze %dma_wait3A_81 : memref<1x10x8x128xi32, #tpu.memory_space<hbm>> -> memref<10x8x128xi32, #tpu.memory_space<hbm>>
      %dma_wait3A_83 = arith.constant 0 : i32
      %dma_wait3A_84 = arith.constant 0 : i32
      %dma_wait3A_85 = tpu.memref_slice %dma_wait3A_82[%dma_wait3A, %dma_wait3A_83, %dma_wait3A_84] : memref<10x8x128xi32, #tpu.memory_space<hbm>> -> memref<1x8x128xi32, #tpu.memory_space<hbm>>
      %dma_wait3A_86 = tpu.memref_squeeze %dma_wait3A_85 : memref<1x8x128xi32, #tpu.memory_space<hbm>> -> memref<8x128xi32, #tpu.memory_space<hbm>>
      %dma_wait3A_87 = arith.constant 0 : i32
      %dma_wait3A_88 = arith.constant 0 : i32
      %dma_wait3A_89 = arith.constant 0 : i32
      %dma_wait3A_90 = tpu.memref_slice %arg4[%add3A, %dma_wait3A_87, %dma_wait3A_88, %dma_wait3A_89] : memref<32x10x8x128xi32, #tpu.memory_space<hbm>> -> memref<1x10x8x128xi32, #tpu.memory_space<hbm>>
      %dma_wait3A_91 = tpu.memref_squeeze %dma_wait3A_90 : memref<1x10x8x128xi32, #tpu.memory_space<hbm>> -> memref<10x8x128xi32, #tpu.memory_space<hbm>>
      %dma_wait3A_92 = arith.constant 0 : i32
      %dma_wait3A_93 = arith.constant 0 : i32
      %dma_wait3A_94 = tpu.memref_slice %dma_wait3A_91[%dma_wait3A, %dma_wait3A_92, %dma_wait3A_93] : memref<10x8x128xi32, #tpu.memory_space<hbm>> -> memref<1x8x128xi32, #tpu.memory_space<hbm>>
      %dma_wait3A_95 = tpu.memref_squeeze %dma_wait3A_94 : memref<1x8x128xi32, #tpu.memory_space<hbm>> -> memref<8x128xi32, #tpu.memory_space<hbm>>
      tpu.wait_dma2 semaphore(%arg14 : memref<!tpu.dma_semaphore, #tpu.memory_space<semaphore_mem>>) src(%dma_wait3A_95 : memref<8x128xi32, #tpu.memory_space<hbm>>) dst(%arg8 : memref<8x128xi32, #tpu.memory_space<vmem>>)
      %add3A_96 = arith.constant 1 : i32
      %add3A_97 = arith.addi %add3A_77, %add3A_96 : i32
      %mul3A_98 = arith.constant 128 : i32
      %mul3A_99 = arith.muli %add3A_97, %mul3A_98 : i32
      %dma_start3A_100 = tpu.memref_slice %arg7[%mul3A_99] : memref<10240xi32, #tpu.memory_space<vmem>> -> memref<128xi32, #tpu.memory_space<vmem>>
      %dma_start3A_101 = arith.constant 0 : i32
      %dma_start3A_102 = arith.constant 0 : i32
      %dma_start3A_103 = tpu.memref_slice %arg2[%dma_start3A_101, %dma_start3A_102] : memref<10000x128xf32, #tpu.memory_space<hbm>> -> memref<10000x128xf32, #tpu.memory_space<hbm>>
      tpu.enqueue_indirect_dma source(%dma_start3A_103 : memref<10000x128xf32, #tpu.memory_space<hbm>>) target(%arg11 : memref<128x128xf32, #tpu.memory_space<vmem>>) offsets(%dma_start3A_100 : memref<128xi32, #tpu.memory_space<vmem>>) semaphore(%arg13 : memref<!tpu.dma_semaphore, #tpu.memory_space<semaphore_mem>>)
      %mul3A_104 = arith.constant 128 : i32
      %mul3A_105 = arith.muli %add3A_77, %mul3A_104 : i32
      %dma_wait3A_106 = tpu.memref_slice %arg7[%mul3A_105] : memref<10240xi32, #tpu.memory_space<vmem>> -> memref<128xi32, #tpu.memory_space<vmem>>
      %dma_wait3A_107 = arith.constant 0 : i32
      %dma_wait3A_108 = arith.constant 0 : i32
      %dma_wait3A_109 = tpu.memref_slice %arg2[%dma_wait3A_107, %dma_wait3A_108] : memref<10000x128xf32, #tpu.memory_space<hbm>> -> memref<10000x128xf32, #tpu.memory_space<hbm>>
      tpu.wait_indirect_dma semaphore(%arg12 : memref<!tpu.dma_semaphore, #tpu.memory_space<semaphore_mem>>) src(%dma_wait3A_109 : memref<10000x128xf32, #tpu.memory_space<hbm>>) dst(%arg10 : memref<128x128xf32, #tpu.memory_space<vmem>>)
      %run_scoped3A = arith.constant 0 : i32
      "tpu.region"() ({
        %run_scoped3A_389 = tpu.sem_alloc : memref<!tpu.dma_semaphore, #tpu.memory_space<semaphore_mem>>
        %dma_start3A_390 = arith.constant 0 : i32
        %dma_start3A_391 = tpu.memref_slice %arg8[%run_scoped3A, %dma_start3A_390] : memref<8x128xi32, #tpu.memory_space<vmem>> -> memref<1x128xi32, #tpu.memory_space<vmem>>
        %dma_start3A_392 = tpu.memref_squeeze %dma_start3A_391 : memref<1x128xi32, #tpu.memory_space<vmem>> -> memref<128xi32, #tpu.memory_space<vmem>>
        %dma_start3A_393 = arith.constant 0 : i32
        %dma_start3A_394 = arith.constant 0 : i32
        %dma_start3A_395 = tpu.memref_slice %arg6[%dma_start3A_393, %dma_start3A_394] : memref<10256x128xf32, #tpu.memory_space<vmem_shared>> -> memref<10256x128xf32, #tpu.memory_space<vmem_shared>>
        tpu.enqueue_indirect_dma source(%arg10 : memref<128x128xf32, #tpu.memory_space<vmem>>) target(%dma_start3A_395 : memref<10256x128xf32, #tpu.memory_space<vmem_shared>>) offsets(%dma_start3A_392 : memref<128xi32, #tpu.memory_space<vmem>>) semaphore(%run_scoped3A_389 : memref<!tpu.dma_semaphore, #tpu.memory_space<semaphore_mem>>) {add = true}
        %dma_wait3A_396 = arith.constant 0 : i32
        %dma_wait3A_397 = tpu.memref_slice %arg8[%run_scoped3A, %dma_wait3A_396] : memref<8x128xi32, #tpu.memory_space<vmem>> -> memref<1x128xi32, #tpu.memory_space<vmem>>
        %dma_wait3A_398 = tpu.memref_squeeze %dma_wait3A_397 : memref<1x128xi32, #tpu.memory_space<vmem>> -> memref<128xi32, #tpu.memory_space<vmem>>
        %dma_wait3A_399 = arith.constant 0 : i32
        %dma_wait3A_400 = arith.constant 0 : i32
        %dma_wait3A_401 = tpu.memref_slice %arg6[%dma_wait3A_399, %dma_wait3A_400] : memref<10256x128xf32, #tpu.memory_space<vmem_shared>> -> memref<10256x128xf32, #tpu.memory_space<vmem_shared>>
        tpu.wait_indirect_dma semaphore(%run_scoped3A_389 : memref<!tpu.dma_semaphore, #tpu.memory_space<semaphore_mem>>) src(%arg10 : memref<128x128xf32, #tpu.memory_space<vmem>>) dst(%dma_wait3A_401 : memref<10256x128xf32, #tpu.memory_space<vmem_shared>>)
        tpu.yield
      }) : () -> ()
      %add3A_110 = arith.constant 1 : i32
      %add3A_111 = arith.addi %mul3A_75, %add3A_110 : i32
      %add3A_112 = arith.constant 1 : i32
      %add3A_113 = arith.addi %add3A_111, %add3A_112 : i32
      %mul3A_114 = arith.constant 128 : i32
      %mul3A_115 = arith.muli %add3A_113, %mul3A_114 : i32
      %dma_start3A_116 = tpu.memref_slice %arg7[%mul3A_115] : memref<10240xi32, #tpu.memory_space<vmem>> -> memref<128xi32, #tpu.memory_space<vmem>>
      %dma_start3A_117 = arith.constant 0 : i32
      %dma_start3A_118 = arith.constant 0 : i32
      %dma_start3A_119 = tpu.memref_slice %arg2[%dma_start3A_117, %dma_start3A_118] : memref<10000x128xf32, #tpu.memory_space<hbm>> -> memref<10000x128xf32, #tpu.memory_space<hbm>>
      tpu.enqueue_indirect_dma source(%dma_start3A_119 : memref<10000x128xf32, #tpu.memory_space<hbm>>) target(%arg10 : memref<128x128xf32, #tpu.memory_space<vmem>>) offsets(%dma_start3A_116 : memref<128xi32, #tpu.memory_space<vmem>>) semaphore(%arg12 : memref<!tpu.dma_semaphore, #tpu.memory_space<semaphore_mem>>)
      %mul3A_120 = arith.constant 128 : i32
      %mul3A_121 = arith.muli %add3A_111, %mul3A_120 : i32
      %dma_wait3A_122 = tpu.memref_slice %arg7[%mul3A_121] : memref<10240xi32, #tpu.memory_space<vmem>> -> memref<128xi32, #tpu.memory_space<vmem>>
      %dma_wait3A_123 = arith.constant 0 : i32
      %dma_wait3A_124 = arith.constant 0 : i32
      %dma_wait3A_125 = tpu.memref_slice %arg2[%dma_wait3A_123, %dma_wait3A_124] : memref<10000x128xf32, #tpu.memory_space<hbm>> -> memref<10000x128xf32, #tpu.memory_space<hbm>>
      tpu.wait_indirect_dma semaphore(%arg13 : memref<!tpu.dma_semaphore, #tpu.memory_space<semaphore_mem>>) src(%dma_wait3A_125 : memref<10000x128xf32, #tpu.memory_space<hbm>>) dst(%arg11 : memref<128x128xf32, #tpu.memory_space<vmem>>)
      %run_scoped3A_126 = arith.constant 1 : i32
      "tpu.region"() ({
        %run_scoped3A_389 = tpu.sem_alloc : memref<!tpu.dma_semaphore, #tpu.memory_space<semaphore_mem>>
        %dma_start3A_390 = arith.constant 0 : i32
        %dma_start3A_391 = tpu.memref_slice %arg8[%run_scoped3A_126, %dma_start3A_390] : memref<8x128xi32, #tpu.memory_space<vmem>> -> memref<1x128xi32, #tpu.memory_space<vmem>>
        %dma_start3A_392 = tpu.memref_squeeze %dma_start3A_391 : memref<1x128xi32, #tpu.memory_space<vmem>> -> memref<128xi32, #tpu.memory_space<vmem>>
        %dma_start3A_393 = arith.constant 0 : i32
        %dma_start3A_394 = arith.constant 0 : i32
        %dma_start3A_395 = tpu.memref_slice %arg6[%dma_start3A_393, %dma_start3A_394] : memref<10256x128xf32, #tpu.memory_space<vmem_shared>> -> memref<10256x128xf32, #tpu.memory_space<vmem_shared>>
        tpu.enqueue_indirect_dma source(%arg11 : memref<128x128xf32, #tpu.memory_space<vmem>>) target(%dma_start3A_395 : memref<10256x128xf32, #tpu.memory_space<vmem_shared>>) offsets(%dma_start3A_392 : memref<128xi32, #tpu.memory_space<vmem>>) semaphore(%run_scoped3A_389 : memref<!tpu.dma_semaphore, #tpu.memory_space<semaphore_mem>>) {add = true}
        %dma_wait3A_396 = arith.constant 0 : i32
        %dma_wait3A_397 = tpu.memref_slice %arg8[%run_scoped3A_126, %dma_wait3A_396] : memref<8x128xi32, #tpu.memory_space<vmem>> -> memref<1x128xi32, #tpu.memory_space<vmem>>
        %dma_wait3A_398 = tpu.memref_squeeze %dma_wait3A_397 : memref<1x128xi32, #tpu.memory_space<vmem>> -> memref<128xi32, #tpu.memory_space<vmem>>
        %dma_wait3A_399 = arith.constant 0 : i32
        %dma_wait3A_400 = arith.constant 0 : i32
        %dma_wait3A_401 = tpu.memref_slice %arg6[%dma_wait3A_399, %dma_wait3A_400] : memref<10256x128xf32, #tpu.memory_space<vmem_shared>> -> memref<10256x128xf32, #tpu.memory_space<vmem_shared>>
        tpu.wait_indirect_dma semaphore(%run_scoped3A_389 : memref<!tpu.dma_semaphore, #tpu.memory_space<semaphore_mem>>) src(%arg11 : memref<128x128xf32, #tpu.memory_space<vmem>>) dst(%dma_wait3A_401 : memref<10256x128xf32, #tpu.memory_space<vmem_shared>>)
        tpu.yield
      }) : () -> ()
      %add3A_127 = arith.constant 2 : i32
      %add3A_128 = arith.addi %mul3A_75, %add3A_127 : i32
      %add3A_129 = arith.constant 1 : i32
      %add3A_130 = arith.addi %add3A_128, %add3A_129 : i32
      %mul3A_131 = arith.constant 128 : i32
      %mul3A_132 = arith.muli %add3A_130, %mul3A_131 : i32
      %dma_start3A_133 = tpu.memref_slice %arg7[%mul3A_132] : memref<10240xi32, #tpu.memory_space<vmem>> -> memref<128xi32, #tpu.memory_space<vmem>>
      %dma_start3A_134 = arith.constant 0 : i32
      %dma_start3A_135 = arith.constant 0 : i32
      %dma_start3A_136 = tpu.memref_slice %arg2[%dma_start3A_134, %dma_start3A_135] : memref<10000x128xf32, #tpu.memory_space<hbm>> -> memref<10000x128xf32, #tpu.memory_space<hbm>>
      tpu.enqueue_indirect_dma source(%dma_start3A_136 : memref<10000x128xf32, #tpu.memory_space<hbm>>) target(%arg11 : memref<128x128xf32, #tpu.memory_space<vmem>>) offsets(%dma_start3A_133 : memref<128xi32, #tpu.memory_space<vmem>>) semaphore(%arg13 : memref<!tpu.dma_semaphore, #tpu.memory_space<semaphore_mem>>)
      %mul3A_137 = arith.constant 128 : i32
      %mul3A_138 = arith.muli %add3A_128, %mul3A_137 : i32
      %dma_wait3A_139 = tpu.memref_slice %arg7[%mul3A_138] : memref<10240xi32, #tpu.memory_space<vmem>> -> memref<128xi32, #tpu.memory_space<vmem>>
      %dma_wait3A_140 = arith.constant 0 : i32
      %dma_wait3A_141 = arith.constant 0 : i32
      %dma_wait3A_142 = tpu.memref_slice %arg2[%dma_wait3A_140, %dma_wait3A_141] : memref<10000x128xf32, #tpu.memory_space<hbm>> -> memref<10000x128xf32, #tpu.memory_space<hbm>>
      tpu.wait_indirect_dma semaphore(%arg12 : memref<!tpu.dma_semaphore, #tpu.memory_space<semaphore_mem>>) src(%dma_wait3A_142 : memref<10000x128xf32, #tpu.memory_space<hbm>>) dst(%arg10 : memref<128x128xf32, #tpu.memory_space<vmem>>)
      %run_scoped3A_143 = arith.constant 2 : i32
      "tpu.region"() ({
        %run_scoped3A_389 = tpu.sem_alloc : memref<!tpu.dma_semaphore, #tpu.memory_space<semaphore_mem>>
        %dma_start3A_390 = arith.constant 0 : i32
        %dma_start3A_391 = tpu.memref_slice %arg8[%run_scoped3A_143, %dma_start3A_390] : memref<8x128xi32, #tpu.memory_space<vmem>> -> memref<1x128xi32, #tpu.memory_space<vmem>>
        %dma_start3A_392 = tpu.memref_squeeze %dma_start3A_391 : memref<1x128xi32, #tpu.memory_space<vmem>> -> memref<128xi32, #tpu.memory_space<vmem>>
        %dma_start3A_393 = arith.constant 0 : i32
        %dma_start3A_394 = arith.constant 0 : i32
        %dma_start3A_395 = tpu.memref_slice %arg6[%dma_start3A_393, %dma_start3A_394] : memref<10256x128xf32, #tpu.memory_space<vmem_shared>> -> memref<10256x128xf32, #tpu.memory_space<vmem_shared>>
        tpu.enqueue_indirect_dma source(%arg10 : memref<128x128xf32, #tpu.memory_space<vmem>>) target(%dma_start3A_395 : memref<10256x128xf32, #tpu.memory_space<vmem_shared>>) offsets(%dma_start3A_392 : memref<128xi32, #tpu.memory_space<vmem>>) semaphore(%run_scoped3A_389 : memref<!tpu.dma_semaphore, #tpu.memory_space<semaphore_mem>>) {add = true}
        %dma_wait3A_396 = arith.constant 0 : i32
        %dma_wait3A_397 = tpu.memref_slice %arg8[%run_scoped3A_143, %dma_wait3A_396] : memref<8x128xi32, #tpu.memory_space<vmem>> -> memref<1x128xi32, #tpu.memory_space<vmem>>
        %dma_wait3A_398 = tpu.memref_squeeze %dma_wait3A_397 : memref<1x128xi32, #tpu.memory_space<vmem>> -> memref<128xi32, #tpu.memory_space<vmem>>
        %dma_wait3A_399 = arith.constant 0 : i32
        %dma_wait3A_400 = arith.constant 0 : i32
        %dma_wait3A_401 = tpu.memref_slice %arg6[%dma_wait3A_399, %dma_wait3A_400] : memref<10256x128xf32, #tpu.memory_space<vmem_shared>> -> memref<10256x128xf32, #tpu.memory_space<vmem_shared>>
        tpu.wait_indirect_dma semaphore(%run_scoped3A_389 : memref<!tpu.dma_semaphore, #tpu.memory_space<semaphore_mem>>) src(%arg10 : memref<128x128xf32, #tpu.memory_space<vmem>>) dst(%dma_wait3A_401 : memref<10256x128xf32, #tpu.memory_space<vmem_shared>>)
        tpu.yield
      }) : () -> ()
      %add3A_144 = arith.constant 3 : i32
      %add3A_145 = arith.addi %mul3A_75, %add3A_144 : i32
      %add3A_146 = arith.constant 1 : i32
      %add3A_147 = arith.addi %add3A_145, %add3A_146 : i32
      %mul3A_148 = arith.constant 128 : i32
      %mul3A_149 = arith.muli %add3A_147, %mul3A_148 : i32
      %dma_start3A_150 = tpu.memref_slice %arg7[%mul3A_149] : memref<10240xi32, #tpu.memory_space<vmem>> -> memref<128xi32, #tpu.memory_space<vmem>>
      %dma_start3A_151 = arith.constant 0 : i32
      %dma_start3A_152 = arith.constant 0 : i32
      %dma_start3A_153 = tpu.memref_slice %arg2[%dma_start3A_151, %dma_start3A_152] : memref<10000x128xf32, #tpu.memory_space<hbm>> -> memref<10000x128xf32, #tpu.memory_space<hbm>>
      tpu.enqueue_indirect_dma source(%dma_start3A_153 : memref<10000x128xf32, #tpu.memory_space<hbm>>) target(%arg10 : memref<128x128xf32, #tpu.memory_space<vmem>>) offsets(%dma_start3A_150 : memref<128xi32, #tpu.memory_space<vmem>>) semaphore(%arg12 : memref<!tpu.dma_semaphore, #tpu.memory_space<semaphore_mem>>)
      %mul3A_154 = arith.constant 128 : i32
      %mul3A_155 = arith.muli %add3A_145, %mul3A_154 : i32
      %dma_wait3A_156 = tpu.memref_slice %arg7[%mul3A_155] : memref<10240xi32, #tpu.memory_space<vmem>> -> memref<128xi32, #tpu.memory_space<vmem>>
      %dma_wait3A_157 = arith.constant 0 : i32
      %dma_wait3A_158 = arith.constant 0 : i32
      %dma_wait3A_159 = tpu.memref_slice %arg2[%dma_wait3A_157, %dma_wait3A_158] : memref<10000x128xf32, #tpu.memory_space<hbm>> -> memref<10000x128xf32, #tpu.memory_space<hbm>>
      tpu.wait_indirect_dma semaphore(%arg13 : memref<!tpu.dma_semaphore, #tpu.memory_space<semaphore_mem>>) src(%dma_wait3A_159 : memref<10000x128xf32, #tpu.memory_space<hbm>>) dst(%arg11 : memref<128x128xf32, #tpu.memory_space<vmem>>)
      %run_scoped3A_160 = arith.constant 3 : i32
      "tpu.region"() ({
        %run_scoped3A_389 = tpu.sem_alloc : memref<!tpu.dma_semaphore, #tpu.memory_space<semaphore_mem>>
        %dma_start3A_390 = arith.constant 0 : i32
        %dma_start3A_391 = tpu.memref_slice %arg8[%run_scoped3A_160, %dma_start3A_390] : memref<8x128xi32, #tpu.memory_space<vmem>> -> memref<1x128xi32, #tpu.memory_space<vmem>>
        %dma_start3A_392 = tpu.memref_squeeze %dma_start3A_391 : memref<1x128xi32, #tpu.memory_space<vmem>> -> memref<128xi32, #tpu.memory_space<vmem>>
        %dma_start3A_393 = arith.constant 0 : i32
        %dma_start3A_394 = arith.constant 0 : i32
        %dma_start3A_395 = tpu.memref_slice %arg6[%dma_start3A_393, %dma_start3A_394] : memref<10256x128xf32, #tpu.memory_space<vmem_shared>> -> memref<10256x128xf32, #tpu.memory_space<vmem_shared>>
        tpu.enqueue_indirect_dma source(%arg11 : memref<128x128xf32, #tpu.memory_space<vmem>>) target(%dma_start3A_395 : memref<10256x128xf32, #tpu.memory_space<vmem_shared>>) offsets(%dma_start3A_392 : memref<128xi32, #tpu.memory_space<vmem>>) semaphore(%run_scoped3A_389 : memref<!tpu.dma_semaphore, #tpu.memory_space<semaphore_mem>>) {add = true}
        %dma_wait3A_396 = arith.constant 0 : i32
        %dma_wait3A_397 = tpu.memref_slice %arg8[%run_scoped3A_160, %dma_wait3A_396] : memref<8x128xi32, #tpu.memory_space<vmem>> -> memref<1x128xi32, #tpu.memory_space<vmem>>
        %dma_wait3A_398 = tpu.memref_squeeze %dma_wait3A_397 : memref<1x128xi32, #tpu.memory_space<vmem>> -> memref<128xi32, #tpu.memory_space<vmem>>
        %dma_wait3A_399 = arith.constant 0 : i32
        %dma_wait3A_400 = arith.constant 0 : i32
        %dma_wait3A_401 = tpu.memref_slice %arg6[%dma_wait3A_399, %dma_wait3A_400] : memref<10256x128xf32, #tpu.memory_space<vmem_shared>> -> memref<10256x128xf32, #tpu.memory_space<vmem_shared>>
        tpu.wait_indirect_dma semaphore(%run_scoped3A_389 : memref<!tpu.dma_semaphore, #tpu.memory_space<semaphore_mem>>) src(%arg11 : memref<128x128xf32, #tpu.memory_space<vmem>>) dst(%dma_wait3A_401 : memref<10256x128xf32, #tpu.memory_space<vmem_shared>>)
        tpu.yield
      }) : () -> ()
      %add3A_161 = arith.constant 4 : i32
      %add3A_162 = arith.addi %mul3A_75, %add3A_161 : i32
      %add3A_163 = arith.constant 1 : i32
      %add3A_164 = arith.addi %add3A_162, %add3A_163 : i32
      %mul3A_165 = arith.constant 128 : i32
      %mul3A_166 = arith.muli %add3A_164, %mul3A_165 : i32
      %dma_start3A_167 = tpu.memref_slice %arg7[%mul3A_166] : memref<10240xi32, #tpu.memory_space<vmem>> -> memref<128xi32, #tpu.memory_space<vmem>>
      %dma_start3A_168 = arith.constant 0 : i32
      %dma_start3A_169 = arith.constant 0 : i32
      %dma_start3A_170 = tpu.memref_slice %arg2[%dma_start3A_168, %dma_start3A_169] : memref<10000x128xf32, #tpu.memory_space<hbm>> -> memref<10000x128xf32, #tpu.memory_space<hbm>>
      tpu.enqueue_indirect_dma source(%dma_start3A_170 : memref<10000x128xf32, #tpu.memory_space<hbm>>) target(%arg11 : memref<128x128xf32, #tpu.memory_space<vmem>>) offsets(%dma_start3A_167 : memref<128xi32, #tpu.memory_space<vmem>>) semaphore(%arg13 : memref<!tpu.dma_semaphore, #tpu.memory_space<semaphore_mem>>)
      %mul3A_171 = arith.constant 128 : i32
      %mul3A_172 = arith.muli %add3A_162, %mul3A_171 : i32
      %dma_wait3A_173 = tpu.memref_slice %arg7[%mul3A_172] : memref<10240xi32, #tpu.memory_space<vmem>> -> memref<128xi32, #tpu.memory_space<vmem>>
      %dma_wait3A_174 = arith.constant 0 : i32
      %dma_wait3A_175 = arith.constant 0 : i32
      %dma_wait3A_176 = tpu.memref_slice %arg2[%dma_wait3A_174, %dma_wait3A_175] : memref<10000x128xf32, #tpu.memory_space<hbm>> -> memref<10000x128xf32, #tpu.memory_space<hbm>>
      tpu.wait_indirect_dma semaphore(%arg12 : memref<!tpu.dma_semaphore, #tpu.memory_space<semaphore_mem>>) src(%dma_wait3A_176 : memref<10000x128xf32, #tpu.memory_space<hbm>>) dst(%arg10 : memref<128x128xf32, #tpu.memory_space<vmem>>)
      %run_scoped3A_177 = arith.constant 4 : i32
      "tpu.region"() ({
        %run_scoped3A_389 = tpu.sem_alloc : memref<!tpu.dma_semaphore, #tpu.memory_space<semaphore_mem>>
        %dma_start3A_390 = arith.constant 0 : i32
        %dma_start3A_391 = tpu.memref_slice %arg8[%run_scoped3A_177, %dma_start3A_390] : memref<8x128xi32, #tpu.memory_space<vmem>> -> memref<1x128xi32, #tpu.memory_space<vmem>>
        %dma_start3A_392 = tpu.memref_squeeze %dma_start3A_391 : memref<1x128xi32, #tpu.memory_space<vmem>> -> memref<128xi32, #tpu.memory_space<vmem>>
        %dma_start3A_393 = arith.constant 0 : i32
        %dma_start3A_394 = arith.constant 0 : i32
        %dma_start3A_395 = tpu.memref_slice %arg6[%dma_start3A_393, %dma_start3A_394] : memref<10256x128xf32, #tpu.memory_space<vmem_shared>> -> memref<10256x128xf32, #tpu.memory_space<vmem_shared>>
        tpu.enqueue_indirect_dma source(%arg10 : memref<128x128xf32, #tpu.memory_space<vmem>>) target(%dma_start3A_395 : memref<10256x128xf32, #tpu.memory_space<vmem_shared>>) offsets(%dma_start3A_392 : memref<128xi32, #tpu.memory_space<vmem>>) semaphore(%run_scoped3A_389 : memref<!tpu.dma_semaphore, #tpu.memory_space<semaphore_mem>>) {add = true}
        %dma_wait3A_396 = arith.constant 0 : i32
        %dma_wait3A_397 = tpu.memref_slice %arg8[%run_scoped3A_177, %dma_wait3A_396] : memref<8x128xi32, #tpu.memory_space<vmem>> -> memref<1x128xi32, #tpu.memory_space<vmem>>
        %dma_wait3A_398 = tpu.memref_squeeze %dma_wait3A_397 : memref<1x128xi32, #tpu.memory_space<vmem>> -> memref<128xi32, #tpu.memory_space<vmem>>
        %dma_wait3A_399 = arith.constant 0 : i32
        %dma_wait3A_400 = arith.constant 0 : i32
        %dma_wait3A_401 = tpu.memref_slice %arg6[%dma_wait3A_399, %dma_wait3A_400] : memref<10256x128xf32, #tpu.memory_space<vmem_shared>> -> memref<10256x128xf32, #tpu.memory_space<vmem_shared>>
        tpu.wait_indirect_dma semaphore(%run_scoped3A_389 : memref<!tpu.dma_semaphore, #tpu.memory_space<semaphore_mem>>) src(%arg10 : memref<128x128xf32, #tpu.memory_space<vmem>>) dst(%dma_wait3A_401 : memref<10256x128xf32, #tpu.memory_space<vmem_shared>>)
        tpu.yield
      }) : () -> ()
      %add3A_178 = arith.constant 5 : i32
      %add3A_179 = arith.addi %mul3A_75, %add3A_178 : i32
      %add3A_180 = arith.constant 1 : i32
      %add3A_181 = arith.addi %add3A_179, %add3A_180 : i32
      %mul3A_182 = arith.constant 128 : i32
      %mul3A_183 = arith.muli %add3A_181, %mul3A_182 : i32
      %dma_start3A_184 = tpu.memref_slice %arg7[%mul3A_183] : memref<10240xi32, #tpu.memory_space<vmem>> -> memref<128xi32, #tpu.memory_space<vmem>>
      %dma_start3A_185 = arith.constant 0 : i32
      %dma_start3A_186 = arith.constant 0 : i32
      %dma_start3A_187 = tpu.memref_slice %arg2[%dma_start3A_185, %dma_start3A_186] : memref<10000x128xf32, #tpu.memory_space<hbm>> -> memref<10000x128xf32, #tpu.memory_space<hbm>>
      tpu.enqueue_indirect_dma source(%dma_start3A_187 : memref<10000x128xf32, #tpu.memory_space<hbm>>) target(%arg10 : memref<128x128xf32, #tpu.memory_space<vmem>>) offsets(%dma_start3A_184 : memref<128xi32, #tpu.memory_space<vmem>>) semaphore(%arg12 : memref<!tpu.dma_semaphore, #tpu.memory_space<semaphore_mem>>)
      %mul3A_188 = arith.constant 128 : i32
      %mul3A_189 = arith.muli %add3A_179, %mul3A_188 : i32
      %dma_wait3A_190 = tpu.memref_slice %arg7[%mul3A_189] : memref<10240xi32, #tpu.memory_space<vmem>> -> memref<128xi32, #tpu.memory_space<vmem>>
      %dma_wait3A_191 = arith.constant 0 : i32
      %dma_wait3A_192 = arith.constant 0 : i32
      %dma_wait3A_193 = tpu.memref_slice %arg2[%dma_wait3A_191, %dma_wait3A_192] : memref<10000x128xf32, #tpu.memory_space<hbm>> -> memref<10000x128xf32, #tpu.memory_space<hbm>>
      tpu.wait_indirect_dma semaphore(%arg13 : memref<!tpu.dma_semaphore, #tpu.memory_space<semaphore_mem>>) src(%dma_wait3A_193 : memref<10000x128xf32, #tpu.memory_space<hbm>>) dst(%arg11 : memref<128x128xf32, #tpu.memory_space<vmem>>)
      %run_scoped3A_194 = arith.constant 5 : i32
      "tpu.region"() ({
        %run_scoped3A_389 = tpu.sem_alloc : memref<!tpu.dma_semaphore, #tpu.memory_space<semaphore_mem>>
        %dma_start3A_390 = arith.constant 0 : i32
        %dma_start3A_391 = tpu.memref_slice %arg8[%run_scoped3A_194, %dma_start3A_390] : memref<8x128xi32, #tpu.memory_space<vmem>> -> memref<1x128xi32, #tpu.memory_space<vmem>>
        %dma_start3A_392 = tpu.memref_squeeze %dma_start3A_391 : memref<1x128xi32, #tpu.memory_space<vmem>> -> memref<128xi32, #tpu.memory_space<vmem>>
        %dma_start3A_393 = arith.constant 0 : i32
        %dma_start3A_394 = arith.constant 0 : i32
        %dma_start3A_395 = tpu.memref_slice %arg6[%dma_start3A_393, %dma_start3A_394] : memref<10256x128xf32, #tpu.memory_space<vmem_shared>> -> memref<10256x128xf32, #tpu.memory_space<vmem_shared>>
        tpu.enqueue_indirect_dma source(%arg11 : memref<128x128xf32, #tpu.memory_space<vmem>>) target(%dma_start3A_395 : memref<10256x128xf32, #tpu.memory_space<vmem_shared>>) offsets(%dma_start3A_392 : memref<128xi32, #tpu.memory_space<vmem>>) semaphore(%run_scoped3A_389 : memref<!tpu.dma_semaphore, #tpu.memory_space<semaphore_mem>>) {add = true}
        %dma_wait3A_396 = arith.constant 0 : i32
        %dma_wait3A_397 = tpu.memref_slice %arg8[%run_scoped3A_194, %dma_wait3A_396] : memref<8x128xi32, #tpu.memory_space<vmem>> -> memref<1x128xi32, #tpu.memory_space<vmem>>
        %dma_wait3A_398 = tpu.memref_squeeze %dma_wait3A_397 : memref<1x128xi32, #tpu.memory_space<vmem>> -> memref<128xi32, #tpu.memory_space<vmem>>
        %dma_wait3A_399 = arith.constant 0 : i32
        %dma_wait3A_400 = arith.constant 0 : i32
        %dma_wait3A_401 = tpu.memref_slice %arg6[%dma_wait3A_399, %dma_wait3A_400] : memref<10256x128xf32, #tpu.memory_space<vmem_shared>> -> memref<10256x128xf32, #tpu.memory_space<vmem_shared>>
        tpu.wait_indirect_dma semaphore(%run_scoped3A_389 : memref<!tpu.dma_semaphore, #tpu.memory_space<semaphore_mem>>) src(%arg11 : memref<128x128xf32, #tpu.memory_space<vmem>>) dst(%dma_wait3A_401 : memref<10256x128xf32, #tpu.memory_space<vmem_shared>>)
        tpu.yield
      }) : () -> ()
      %add3A_195 = arith.constant 6 : i32
      %add3A_196 = arith.addi %mul3A_75, %add3A_195 : i32
      %add3A_197 = arith.constant 1 : i32
      %add3A_198 = arith.addi %add3A_196, %add3A_197 : i32
      %mul3A_199 = arith.constant 128 : i32
      %mul3A_200 = arith.muli %add3A_198, %mul3A_199 : i32
      %dma_start3A_201 = tpu.memref_slice %arg7[%mul3A_200] : memref<10240xi32, #tpu.memory_space<vmem>> -> memref<128xi32, #tpu.memory_space<vmem>>
      %dma_start3A_202 = arith.constant 0 : i32
      %dma_start3A_203 = arith.constant 0 : i32
      %dma_start3A_204 = tpu.memref_slice %arg2[%dma_start3A_202, %dma_start3A_203] : memref<10000x128xf32, #tpu.memory_space<hbm>> -> memref<10000x128xf32, #tpu.memory_space<hbm>>
      tpu.enqueue_indirect_dma source(%dma_start3A_204 : memref<10000x128xf32, #tpu.memory_space<hbm>>) target(%arg11 : memref<128x128xf32, #tpu.memory_space<vmem>>) offsets(%dma_start3A_201 : memref<128xi32, #tpu.memory_space<vmem>>) semaphore(%arg13 : memref<!tpu.dma_semaphore, #tpu.memory_space<semaphore_mem>>)
      %mul3A_205 = arith.constant 128 : i32
      %mul3A_206 = arith.muli %add3A_196, %mul3A_205 : i32
      %dma_wait3A_207 = tpu.memref_slice %arg7[%mul3A_206] : memref<10240xi32, #tpu.memory_space<vmem>> -> memref<128xi32, #tpu.memory_space<vmem>>
      %dma_wait3A_208 = arith.constant 0 : i32
      %dma_wait3A_209 = arith.constant 0 : i32
      %dma_wait3A_210 = tpu.memref_slice %arg2[%dma_wait3A_208, %dma_wait3A_209] : memref<10000x128xf32, #tpu.memory_space<hbm>> -> memref<10000x128xf32, #tpu.memory_space<hbm>>
      tpu.wait_indirect_dma semaphore(%arg12 : memref<!tpu.dma_semaphore, #tpu.memory_space<semaphore_mem>>) src(%dma_wait3A_210 : memref<10000x128xf32, #tpu.memory_space<hbm>>) dst(%arg10 : memref<128x128xf32, #tpu.memory_space<vmem>>)
      %run_scoped3A_211 = arith.constant 6 : i32
      "tpu.region"() ({
        %run_scoped3A_389 = tpu.sem_alloc : memref<!tpu.dma_semaphore, #tpu.memory_space<semaphore_mem>>
        %dma_start3A_390 = arith.constant 0 : i32
        %dma_start3A_391 = tpu.memref_slice %arg8[%run_scoped3A_211, %dma_start3A_390] : memref<8x128xi32, #tpu.memory_space<vmem>> -> memref<1x128xi32, #tpu.memory_space<vmem>>
        %dma_start3A_392 = tpu.memref_squeeze %dma_start3A_391 : memref<1x128xi32, #tpu.memory_space<vmem>> -> memref<128xi32, #tpu.memory_space<vmem>>
        %dma_start3A_393 = arith.constant 0 : i32
        %dma_start3A_394 = arith.constant 0 : i32
        %dma_start3A_395 = tpu.memref_slice %arg6[%dma_start3A_393, %dma_start3A_394] : memref<10256x128xf32, #tpu.memory_space<vmem_shared>> -> memref<10256x128xf32, #tpu.memory_space<vmem_shared>>
        tpu.enqueue_indirect_dma source(%arg10 : memref<128x128xf32, #tpu.memory_space<vmem>>) target(%dma_start3A_395 : memref<10256x128xf32, #tpu.memory_space<vmem_shared>>) offsets(%dma_start3A_392 : memref<128xi32, #tpu.memory_space<vmem>>) semaphore(%run_scoped3A_389 : memref<!tpu.dma_semaphore, #tpu.memory_space<semaphore_mem>>) {add = true}
        %dma_wait3A_396 = arith.constant 0 : i32
        %dma_wait3A_397 = tpu.memref_slice %arg8[%run_scoped3A_211, %dma_wait3A_396] : memref<8x128xi32, #tpu.memory_space<vmem>> -> memref<1x128xi32, #tpu.memory_space<vmem>>
        %dma_wait3A_398 = tpu.memref_squeeze %dma_wait3A_397 : memref<1x128xi32, #tpu.memory_space<vmem>> -> memref<128xi32, #tpu.memory_space<vmem>>
        %dma_wait3A_399 = arith.constant 0 : i32
        %dma_wait3A_400 = arith.constant 0 : i32
        %dma_wait3A_401 = tpu.memref_slice %arg6[%dma_wait3A_399, %dma_wait3A_400] : memref<10256x128xf32, #tpu.memory_space<vmem_shared>> -> memref<10256x128xf32, #tpu.memory_space<vmem_shared>>
        tpu.wait_indirect_dma semaphore(%run_scoped3A_389 : memref<!tpu.dma_semaphore, #tpu.memory_space<semaphore_mem>>) src(%arg10 : memref<128x128xf32, #tpu.memory_space<vmem>>) dst(%dma_wait3A_401 : memref<10256x128xf32, #tpu.memory_space<vmem_shared>>)
        tpu.yield
      }) : () -> ()
      %add3A_212 = arith.constant 7 : i32
      %add3A_213 = arith.addi %mul3A_75, %add3A_212 : i32
      %add3A_214 = arith.constant 1 : i32
      %add3A_215 = arith.addi %add3A_213, %add3A_214 : i32
      %mul3A_216 = arith.constant 128 : i32
      %mul3A_217 = arith.muli %add3A_215, %mul3A_216 : i32
      %dma_start3A_218 = tpu.memref_slice %arg7[%mul3A_217] : memref<10240xi32, #tpu.memory_space<vmem>> -> memref<128xi32, #tpu.memory_space<vmem>>
      %dma_start3A_219 = arith.constant 0 : i32
      %dma_start3A_220 = arith.constant 0 : i32
      %dma_start3A_221 = tpu.memref_slice %arg2[%dma_start3A_219, %dma_start3A_220] : memref<10000x128xf32, #tpu.memory_space<hbm>> -> memref<10000x128xf32, #tpu.memory_space<hbm>>
      tpu.enqueue_indirect_dma source(%dma_start3A_221 : memref<10000x128xf32, #tpu.memory_space<hbm>>) target(%arg10 : memref<128x128xf32, #tpu.memory_space<vmem>>) offsets(%dma_start3A_218 : memref<128xi32, #tpu.memory_space<vmem>>) semaphore(%arg12 : memref<!tpu.dma_semaphore, #tpu.memory_space<semaphore_mem>>)
      %mul3A_222 = arith.constant 128 : i32
      %mul3A_223 = arith.muli %add3A_213, %mul3A_222 : i32
      %dma_wait3A_224 = tpu.memref_slice %arg7[%mul3A_223] : memref<10240xi32, #tpu.memory_space<vmem>> -> memref<128xi32, #tpu.memory_space<vmem>>
      %dma_wait3A_225 = arith.constant 0 : i32
      %dma_wait3A_226 = arith.constant 0 : i32
      %dma_wait3A_227 = tpu.memref_slice %arg2[%dma_wait3A_225, %dma_wait3A_226] : memref<10000x128xf32, #tpu.memory_space<hbm>> -> memref<10000x128xf32, #tpu.memory_space<hbm>>
      tpu.wait_indirect_dma semaphore(%arg13 : memref<!tpu.dma_semaphore, #tpu.memory_space<semaphore_mem>>) src(%dma_wait3A_227 : memref<10000x128xf32, #tpu.memory_space<hbm>>) dst(%arg11 : memref<128x128xf32, #tpu.memory_space<vmem>>)
      %run_scoped3A_228 = arith.constant 7 : i32
      "tpu.region"() ({
        %run_scoped3A_389 = tpu.sem_alloc : memref<!tpu.dma_semaphore, #tpu.memory_space<semaphore_mem>>
        %dma_start3A_390 = arith.constant 0 : i32
        %dma_start3A_391 = tpu.memref_slice %arg8[%run_scoped3A_228, %dma_start3A_390] : memref<8x128xi32, #tpu.memory_space<vmem>> -> memref<1x128xi32, #tpu.memory_space<vmem>>
        %dma_start3A_392 = tpu.memref_squeeze %dma_start3A_391 : memref<1x128xi32, #tpu.memory_space<vmem>> -> memref<128xi32, #tpu.memory_space<vmem>>
        %dma_start3A_393 = arith.constant 0 : i32
        %dma_start3A_394 = arith.constant 0 : i32
        %dma_start3A_395 = tpu.memref_slice %arg6[%dma_start3A_393, %dma_start3A_394] : memref<10256x128xf32, #tpu.memory_space<vmem_shared>> -> memref<10256x128xf32, #tpu.memory_space<vmem_shared>>
        tpu.enqueue_indirect_dma source(%arg11 : memref<128x128xf32, #tpu.memory_space<vmem>>) target(%dma_start3A_395 : memref<10256x128xf32, #tpu.memory_space<vmem_shared>>) offsets(%dma_start3A_392 : memref<128xi32, #tpu.memory_space<vmem>>) semaphore(%run_scoped3A_389 : memref<!tpu.dma_semaphore, #tpu.memory_space<semaphore_mem>>) {add = true}
        %dma_wait3A_396 = arith.constant 0 : i32
        %dma_wait3A_397 = tpu.memref_slice %arg8[%run_scoped3A_228, %dma_wait3A_396] : memref<8x128xi32, #tpu.memory_space<vmem>> -> memref<1x128xi32, #tpu.memory_space<vmem>>
        %dma_wait3A_398 = tpu.memref_squeeze %dma_wait3A_397 : memref<1x128xi32, #tpu.memory_space<vmem>> -> memref<128xi32, #tpu.memory_space<vmem>>
        %dma_wait3A_399 = arith.constant 0 : i32
        %dma_wait3A_400 = arith.constant 0 : i32
        %dma_wait3A_401 = tpu.memref_slice %arg6[%dma_wait3A_399, %dma_wait3A_400] : memref<10256x128xf32, #tpu.memory_space<vmem_shared>> -> memref<10256x128xf32, #tpu.memory_space<vmem_shared>>
        tpu.wait_indirect_dma semaphore(%run_scoped3A_389 : memref<!tpu.dma_semaphore, #tpu.memory_space<semaphore_mem>>) src(%arg11 : memref<128x128xf32, #tpu.memory_space<vmem>>) dst(%dma_wait3A_401 : memref<10256x128xf32, #tpu.memory_space<vmem_shared>>)
        tpu.yield
      }) : () -> ()
      %lt3A = arith.constant 4 : i32
      %lt3A_229 = arith.cmpi slt, %scan3A_72, %lt3A : i32
      %convert_element_type3A = arith.extui %lt3A_229 : i1 to i32
      %cond3A = arith.constant 0 : i32
      %cond3A_230 = arith.cmpi ne, %convert_element_type3A, %cond3A : i32
      scf.if %cond3A_230 {
        %mul3A_389 = arith.constant 2 : i32
        %mul3A_390 = arith.muli %mul3A_389, %scan3A_72 : i32
        %add3A_391 = arith.constant 2 : i32
        %add3A_392 = arith.addi %mul3A_390, %add3A_391 : i32
        %dma_start3A_393 = arith.constant 0 : i32
        %dma_start3A_394 = arith.constant 0 : i32
        %dma_start3A_395 = arith.constant 0 : i32
        %dma_start3A_396 = tpu.memref_slice %arg4[%add3A, %dma_start3A_393, %dma_start3A_394, %dma_start3A_395] : memref<32x10x8x128xi32, #tpu.memory_space<hbm>> -> memref<1x10x8x128xi32, #tpu.memory_space<hbm>>
        %dma_start3A_397 = tpu.memref_squeeze %dma_start3A_396 : memref<1x10x8x128xi32, #tpu.memory_space<hbm>> -> memref<10x8x128xi32, #tpu.memory_space<hbm>>
        %dma_start3A_398 = arith.constant 0 : i32
        %dma_start3A_399 = arith.constant 0 : i32
        %dma_start3A_400 = tpu.memref_slice %dma_start3A_397[%add3A_392, %dma_start3A_398, %dma_start3A_399] : memref<10x8x128xi32, #tpu.memory_space<hbm>> -> memref<1x8x128xi32, #tpu.memory_space<hbm>>
        %dma_start3A_401 = tpu.memref_squeeze %dma_start3A_400 : memref<1x8x128xi32, #tpu.memory_space<hbm>> -> memref<8x128xi32, #tpu.memory_space<hbm>>
        %dma_start3A_402 = arith.constant 0 : i32
        %dma_start3A_403 = arith.constant 0 : i32
        %dma_start3A_404 = arith.constant 0 : i32
        %dma_start3A_405 = tpu.memref_slice %arg4[%add3A, %dma_start3A_402, %dma_start3A_403, %dma_start3A_404] : memref<32x10x8x128xi32, #tpu.memory_space<hbm>> -> memref<1x10x8x128xi32, #tpu.memory_space<hbm>>
        %dma_start3A_406 = tpu.memref_squeeze %dma_start3A_405 : memref<1x10x8x128xi32, #tpu.memory_space<hbm>> -> memref<10x8x128xi32, #tpu.memory_space<hbm>>
        %dma_start3A_407 = arith.constant 0 : i32
        %dma_start3A_408 = arith.constant 0 : i32
        %dma_start3A_409 = tpu.memref_slice %dma_start3A_406[%add3A_392, %dma_start3A_407, %dma_start3A_408] : memref<10x8x128xi32, #tpu.memory_space<hbm>> -> memref<1x8x128xi32, #tpu.memory_space<hbm>>
        %dma_start3A_410 = tpu.memref_squeeze %dma_start3A_409 : memref<1x8x128xi32, #tpu.memory_space<hbm>> -> memref<8x128xi32, #tpu.memory_space<hbm>>
        tpu.enqueue_dma source(%dma_start3A_410 : memref<8x128xi32, #tpu.memory_space<hbm>>) target(%arg8 : memref<8x128xi32, #tpu.memory_space<vmem>>) target_semaphore(%arg14 : memref<!tpu.dma_semaphore, #tpu.memory_space<semaphore_mem>>)
      } else {
      }
      %add3A_231 = arith.constant 8 : i32
      %add3A_232 = arith.addi %mul3A_75, %add3A_231 : i32
      %dma_wait3A_233 = arith.constant 0 : i32
      %dma_wait3A_234 = arith.constant 0 : i32
      %dma_wait3A_235 = arith.constant 0 : i32
      %dma_wait3A_236 = arith.constant 0 : i32
      %dma_wait3A_237 = tpu.memref_slice %arg4[%add3A, %dma_wait3A_234, %dma_wait3A_235, %dma_wait3A_236] : memref<32x10x8x128xi32, #tpu.memory_space<hbm>> -> memref<1x10x8x128xi32, #tpu.memory_space<hbm>>
      %dma_wait3A_238 = tpu.memref_squeeze %dma_wait3A_237 : memref<1x10x8x128xi32, #tpu.memory_space<hbm>> -> memref<10x8x128xi32, #tpu.memory_space<hbm>>
      %dma_wait3A_239 = arith.constant 0 : i32
      %dma_wait3A_240 = arith.constant 0 : i32
      %dma_wait3A_241 = tpu.memref_slice %dma_wait3A_238[%dma_wait3A_233, %dma_wait3A_239, %dma_wait3A_240] : memref<10x8x128xi32, #tpu.memory_space<hbm>> -> memref<1x8x128xi32, #tpu.memory_space<hbm>>
      %dma_wait3A_242 = tpu.memref_squeeze %dma_wait3A_241 : memref<1x8x128xi32, #tpu.memory_space<hbm>> -> memref<8x128xi32, #tpu.memory_space<hbm>>
      %dma_wait3A_243 = arith.constant 0 : i32
      %dma_wait3A_244 = arith.constant 0 : i32
      %dma_wait3A_245 = arith.constant 0 : i32
      %dma_wait3A_246 = tpu.memref_slice %arg4[%add3A, %dma_wait3A_243, %dma_wait3A_244, %dma_wait3A_245] : memref<32x10x8x128xi32, #tpu.memory_space<hbm>> -> memref<1x10x8x128xi32, #tpu.memory_space<hbm>>
      %dma_wait3A_247 = tpu.memref_squeeze %dma_wait3A_246 : memref<1x10x8x128xi32, #tpu.memory_space<hbm>> -> memref<10x8x128xi32, #tpu.memory_space<hbm>>
      %dma_wait3A_248 = arith.constant 0 : i32
      %dma_wait3A_249 = arith.constant 0 : i32
      %dma_wait3A_250 = tpu.memref_slice %dma_wait3A_247[%dma_wait3A_233, %dma_wait3A_248, %dma_wait3A_249] : memref<10x8x128xi32, #tpu.memory_space<hbm>> -> memref<1x8x128xi32, #tpu.memory_space<hbm>>
      %dma_wait3A_251 = tpu.memref_squeeze %dma_wait3A_250 : memref<1x8x128xi32, #tpu.memory_space<hbm>> -> memref<8x128xi32, #tpu.memory_space<hbm>>
      tpu.wait_dma2 semaphore(%arg15 : memref<!tpu.dma_semaphore, #tpu.memory_space<semaphore_mem>>) src(%dma_wait3A_251 : memref<8x128xi32, #tpu.memory_space<hbm>>) dst(%arg9 : memref<8x128xi32, #tpu.memory_space<vmem>>)
      %add3A_252 = arith.constant 1 : i32
      %add3A_253 = arith.addi %add3A_232, %add3A_252 : i32
      %mul3A_254 = arith.constant 128 : i32
      %mul3A_255 = arith.muli %add3A_253, %mul3A_254 : i32
      %dma_start3A_256 = tpu.memref_slice %arg7[%mul3A_255] : memref<10240xi32, #tpu.memory_space<vmem>> -> memref<128xi32, #tpu.memory_space<vmem>>
      %dma_start3A_257 = arith.constant 0 : i32
      %dma_start3A_258 = arith.constant 0 : i32
      %dma_start3A_259 = tpu.memref_slice %arg2[%dma_start3A_257, %dma_start3A_258] : memref<10000x128xf32, #tpu.memory_space<hbm>> -> memref<10000x128xf32, #tpu.memory_space<hbm>>
      tpu.enqueue_indirect_dma source(%dma_start3A_259 : memref<10000x128xf32, #tpu.memory_space<hbm>>) target(%arg11 : memref<128x128xf32, #tpu.memory_space<vmem>>) offsets(%dma_start3A_256 : memref<128xi32, #tpu.memory_space<vmem>>) semaphore(%arg13 : memref<!tpu.dma_semaphore, #tpu.memory_space<semaphore_mem>>)
      %mul3A_260 = arith.constant 128 : i32
      %mul3A_261 = arith.muli %add3A_232, %mul3A_260 : i32
      %dma_wait3A_262 = tpu.memref_slice %arg7[%mul3A_261] : memref<10240xi32, #tpu.memory_space<vmem>> -> memref<128xi32, #tpu.memory_space<vmem>>
      %dma_wait3A_263 = arith.constant 0 : i32
      %dma_wait3A_264 = arith.constant 0 : i32
      %dma_wait3A_265 = tpu.memref_slice %arg2[%dma_wait3A_263, %dma_wait3A_264] : memref<10000x128xf32, #tpu.memory_space<hbm>> -> memref<10000x128xf32, #tpu.memory_space<hbm>>
      tpu.wait_indirect_dma semaphore(%arg12 : memref<!tpu.dma_semaphore, #tpu.memory_space<semaphore_mem>>) src(%dma_wait3A_265 : memref<10000x128xf32, #tpu.memory_space<hbm>>) dst(%arg10 : memref<128x128xf32, #tpu.memory_space<vmem>>)
      %run_scoped3A_266 = arith.constant 0 : i32
      "tpu.region"() ({
        %run_scoped3A_389 = tpu.sem_alloc : memref<!tpu.dma_semaphore, #tpu.memory_space<semaphore_mem>>
        %dma_start3A_390 = arith.constant 0 : i32
        %dma_start3A_391 = tpu.memref_slice %arg9[%run_scoped3A_266, %dma_start3A_390] : memref<8x128xi32, #tpu.memory_space<vmem>> -> memref<1x128xi32, #tpu.memory_space<vmem>>
        %dma_start3A_392 = tpu.memref_squeeze %dma_start3A_391 : memref<1x128xi32, #tpu.memory_space<vmem>> -> memref<128xi32, #tpu.memory_space<vmem>>
        %dma_start3A_393 = arith.constant 0 : i32
        %dma_start3A_394 = arith.constant 0 : i32
        %dma_start3A_395 = tpu.memref_slice %arg6[%dma_start3A_393, %dma_start3A_394] : memref<10256x128xf32, #tpu.memory_space<vmem_shared>> -> memref<10256x128xf32, #tpu.memory_space<vmem_shared>>
        tpu.enqueue_indirect_dma source(%arg10 : memref<128x128xf32, #tpu.memory_space<vmem>>) target(%dma_start3A_395 : memref<10256x128xf32, #tpu.memory_space<vmem_shared>>) offsets(%dma_start3A_392 : memref<128xi32, #tpu.memory_space<vmem>>) semaphore(%run_scoped3A_389 : memref<!tpu.dma_semaphore, #tpu.memory_space<semaphore_mem>>) {add = true}
        %dma_wait3A_396 = arith.constant 0 : i32
        %dma_wait3A_397 = tpu.memref_slice %arg9[%run_scoped3A_266, %dma_wait3A_396] : memref<8x128xi32, #tpu.memory_space<vmem>> -> memref<1x128xi32, #tpu.memory_space<vmem>>
        %dma_wait3A_398 = tpu.memref_squeeze %dma_wait3A_397 : memref<1x128xi32, #tpu.memory_space<vmem>> -> memref<128xi32, #tpu.memory_space<vmem>>
        %dma_wait3A_399 = arith.constant 0 : i32
        %dma_wait3A_400 = arith.constant 0 : i32
        %dma_wait3A_401 = tpu.memref_slice %arg6[%dma_wait3A_399, %dma_wait3A_400] : memref<10256x128xf32, #tpu.memory_space<vmem_shared>> -> memref<10256x128xf32, #tpu.memory_space<vmem_shared>>
        tpu.wait_indirect_dma semaphore(%run_scoped3A_389 : memref<!tpu.dma_semaphore, #tpu.memory_space<semaphore_mem>>) src(%arg10 : memref<128x128xf32, #tpu.memory_space<vmem>>) dst(%dma_wait3A_401 : memref<10256x128xf32, #tpu.memory_space<vmem_shared>>)
        tpu.yield
      }) : () -> ()
      %add3A_267 = arith.constant 9 : i32
      %add3A_268 = arith.addi %mul3A_75, %add3A_267 : i32
      %add3A_269 = arith.constant 1 : i32
      %add3A_270 = arith.addi %add3A_268, %add3A_269 : i32
      %mul3A_271 = arith.constant 128 : i32
      %mul3A_272 = arith.muli %add3A_270, %mul3A_271 : i32
      %dma_start3A_273 = tpu.memref_slice %arg7[%mul3A_272] : memref<10240xi32, #tpu.memory_space<vmem>> -> memref<128xi32, #tpu.memory_space<vmem>>
      %dma_start3A_274 = arith.constant 0 : i32
      %dma_start3A_275 = arith.constant 0 : i32
      %dma_start3A_276 = tpu.memref_slice %arg2[%dma_start3A_274, %dma_start3A_275] : memref<10000x128xf32, #tpu.memory_space<hbm>> -> memref<10000x128xf32, #tpu.memory_space<hbm>>
      tpu.enqueue_indirect_dma source(%dma_start3A_276 : memref<10000x128xf32, #tpu.memory_space<hbm>>) target(%arg10 : memref<128x128xf32, #tpu.memory_space<vmem>>) offsets(%dma_start3A_273 : memref<128xi32, #tpu.memory_space<vmem>>) semaphore(%arg12 : memref<!tpu.dma_semaphore, #tpu.memory_space<semaphore_mem>>)
      %mul3A_277 = arith.constant 128 : i32
      %mul3A_278 = arith.muli %add3A_268, %mul3A_277 : i32
      %dma_wait3A_279 = tpu.memref_slice %arg7[%mul3A_278] : memref<10240xi32, #tpu.memory_space<vmem>> -> memref<128xi32, #tpu.memory_space<vmem>>
      %dma_wait3A_280 = arith.constant 0 : i32
      %dma_wait3A_281 = arith.constant 0 : i32
      %dma_wait3A_282 = tpu.memref_slice %arg2[%dma_wait3A_280, %dma_wait3A_281] : memref<10000x128xf32, #tpu.memory_space<hbm>> -> memref<10000x128xf32, #tpu.memory_space<hbm>>
      tpu.wait_indirect_dma semaphore(%arg13 : memref<!tpu.dma_semaphore, #tpu.memory_space<semaphore_mem>>) src(%dma_wait3A_282 : memref<10000x128xf32, #tpu.memory_space<hbm>>) dst(%arg11 : memref<128x128xf32, #tpu.memory_space<vmem>>)
      %run_scoped3A_283 = arith.constant 1 : i32
      "tpu.region"() ({
        %run_scoped3A_389 = tpu.sem_alloc : memref<!tpu.dma_semaphore, #tpu.memory_space<semaphore_mem>>
        %dma_start3A_390 = arith.constant 0 : i32
        %dma_start3A_391 = tpu.memref_slice %arg9[%run_scoped3A_283, %dma_start3A_390] : memref<8x128xi32, #tpu.memory_space<vmem>> -> memref<1x128xi32, #tpu.memory_space<vmem>>
        %dma_start3A_392 = tpu.memref_squeeze %dma_start3A_391 : memref<1x128xi32, #tpu.memory_space<vmem>> -> memref<128xi32, #tpu.memory_space<vmem>>
        %dma_start3A_393 = arith.constant 0 : i32
        %dma_start3A_394 = arith.constant 0 : i32
        %dma_start3A_395 = tpu.memref_slice %arg6[%dma_start3A_393, %dma_start3A_394] : memref<10256x128xf32, #tpu.memory_space<vmem_shared>> -> memref<10256x128xf32, #tpu.memory_space<vmem_shared>>
        tpu.enqueue_indirect_dma source(%arg11 : memref<128x128xf32, #tpu.memory_space<vmem>>) target(%dma_start3A_395 : memref<10256x128xf32, #tpu.memory_space<vmem_shared>>) offsets(%dma_start3A_392 : memref<128xi32, #tpu.memory_space<vmem>>) semaphore(%run_scoped3A_389 : memref<!tpu.dma_semaphore, #tpu.memory_space<semaphore_mem>>) {add = true}
        %dma_wait3A_396 = arith.constant 0 : i32
        %dma_wait3A_397 = tpu.memref_slice %arg9[%run_scoped3A_283, %dma_wait3A_396] : memref<8x128xi32, #tpu.memory_space<vmem>> -> memref<1x128xi32, #tpu.memory_space<vmem>>
        %dma_wait3A_398 = tpu.memref_squeeze %dma_wait3A_397 : memref<1x128xi32, #tpu.memory_space<vmem>> -> memref<128xi32, #tpu.memory_space<vmem>>
        %dma_wait3A_399 = arith.constant 0 : i32
        %dma_wait3A_400 = arith.constant 0 : i32
        %dma_wait3A_401 = tpu.memref_slice %arg6[%dma_wait3A_399, %dma_wait3A_400] : memref<10256x128xf32, #tpu.memory_space<vmem_shared>> -> memref<10256x128xf32, #tpu.memory_space<vmem_shared>>
        tpu.wait_indirect_dma semaphore(%run_scoped3A_389 : memref<!tpu.dma_semaphore, #tpu.memory_space<semaphore_mem>>) src(%arg11 : memref<128x128xf32, #tpu.memory_space<vmem>>) dst(%dma_wait3A_401 : memref<10256x128xf32, #tpu.memory_space<vmem_shared>>)
        tpu.yield
      }) : () -> ()
      %add3A_284 = arith.constant 10 : i32
      %add3A_285 = arith.addi %mul3A_75, %add3A_284 : i32
      %add3A_286 = arith.constant 1 : i32
      %add3A_287 = arith.addi %add3A_285, %add3A_286 : i32
      %mul3A_288 = arith.constant 128 : i32
      %mul3A_289 = arith.muli %add3A_287, %mul3A_288 : i32
      %dma_start3A_290 = tpu.memref_slice %arg7[%mul3A_289] : memref<10240xi32, #tpu.memory_space<vmem>> -> memref<128xi32, #tpu.memory_space<vmem>>
      %dma_start3A_291 = arith.constant 0 : i32
      %dma_start3A_292 = arith.constant 0 : i32
      %dma_start3A_293 = tpu.memref_slice %arg2[%dma_start3A_291, %dma_start3A_292] : memref<10000x128xf32, #tpu.memory_space<hbm>> -> memref<10000x128xf32, #tpu.memory_space<hbm>>
      tpu.enqueue_indirect_dma source(%dma_start3A_293 : memref<10000x128xf32, #tpu.memory_space<hbm>>) target(%arg11 : memref<128x128xf32, #tpu.memory_space<vmem>>) offsets(%dma_start3A_290 : memref<128xi32, #tpu.memory_space<vmem>>) semaphore(%arg13 : memref<!tpu.dma_semaphore, #tpu.memory_space<semaphore_mem>>)
      %mul3A_294 = arith.constant 128 : i32
      %mul3A_295 = arith.muli %add3A_285, %mul3A_294 : i32
      %dma_wait3A_296 = tpu.memref_slice %arg7[%mul3A_295] : memref<10240xi32, #tpu.memory_space<vmem>> -> memref<128xi32, #tpu.memory_space<vmem>>
      %dma_wait3A_297 = arith.constant 0 : i32
      %dma_wait3A_298 = arith.constant 0 : i32
      %dma_wait3A_299 = tpu.memref_slice %arg2[%dma_wait3A_297, %dma_wait3A_298] : memref<10000x128xf32, #tpu.memory_space<hbm>> -> memref<10000x128xf32, #tpu.memory_space<hbm>>
      tpu.wait_indirect_dma semaphore(%arg12 : memref<!tpu.dma_semaphore, #tpu.memory_space<semaphore_mem>>) src(%dma_wait3A_299 : memref<10000x128xf32, #tpu.memory_space<hbm>>) dst(%arg10 : memref<128x128xf32, #tpu.memory_space<vmem>>)
      %run_scoped3A_300 = arith.constant 2 : i32
      "tpu.region"() ({
        %run_scoped3A_389 = tpu.sem_alloc : memref<!tpu.dma_semaphore, #tpu.memory_space<semaphore_mem>>
        %dma_start3A_390 = arith.constant 0 : i32
        %dma_start3A_391 = tpu.memref_slice %arg9[%run_scoped3A_300, %dma_start3A_390] : memref<8x128xi32, #tpu.memory_space<vmem>> -> memref<1x128xi32, #tpu.memory_space<vmem>>
        %dma_start3A_392 = tpu.memref_squeeze %dma_start3A_391 : memref<1x128xi32, #tpu.memory_space<vmem>> -> memref<128xi32, #tpu.memory_space<vmem>>
        %dma_start3A_393 = arith.constant 0 : i32
        %dma_start3A_394 = arith.constant 0 : i32
        %dma_start3A_395 = tpu.memref_slice %arg6[%dma_start3A_393, %dma_start3A_394] : memref<10256x128xf32, #tpu.memory_space<vmem_shared>> -> memref<10256x128xf32, #tpu.memory_space<vmem_shared>>
        tpu.enqueue_indirect_dma source(%arg10 : memref<128x128xf32, #tpu.memory_space<vmem>>) target(%dma_start3A_395 : memref<10256x128xf32, #tpu.memory_space<vmem_shared>>) offsets(%dma_start3A_392 : memref<128xi32, #tpu.memory_space<vmem>>) semaphore(%run_scoped3A_389 : memref<!tpu.dma_semaphore, #tpu.memory_space<semaphore_mem>>) {add = true}
        %dma_wait3A_396 = arith.constant 0 : i32
        %dma_wait3A_397 = tpu.memref_slice %arg9[%run_scoped3A_300, %dma_wait3A_396] : memref<8x128xi32, #tpu.memory_space<vmem>> -> memref<1x128xi32, #tpu.memory_space<vmem>>
        %dma_wait3A_398 = tpu.memref_squeeze %dma_wait3A_397 : memref<1x128xi32, #tpu.memory_space<vmem>> -> memref<128xi32, #tpu.memory_space<vmem>>
        %dma_wait3A_399 = arith.constant 0 : i32
        %dma_wait3A_400 = arith.constant 0 : i32
        %dma_wait3A_401 = tpu.memref_slice %arg6[%dma_wait3A_399, %dma_wait3A_400] : memref<10256x128xf32, #tpu.memory_space<vmem_shared>> -> memref<10256x128xf32, #tpu.memory_space<vmem_shared>>
        tpu.wait_indirect_dma semaphore(%run_scoped3A_389 : memref<!tpu.dma_semaphore, #tpu.memory_space<semaphore_mem>>) src(%arg10 : memref<128x128xf32, #tpu.memory_space<vmem>>) dst(%dma_wait3A_401 : memref<10256x128xf32, #tpu.memory_space<vmem_shared>>)
        tpu.yield
      }) : () -> ()
      %add3A_301 = arith.constant 11 : i32
      %add3A_302 = arith.addi %mul3A_75, %add3A_301 : i32
      %add3A_303 = arith.constant 1 : i32
      %add3A_304 = arith.addi %add3A_302, %add3A_303 : i32
      %mul3A_305 = arith.constant 128 : i32
      %mul3A_306 = arith.muli %add3A_304, %mul3A_305 : i32
      %dma_start3A_307 = tpu.memref_slice %arg7[%mul3A_306] : memref<10240xi32, #tpu.memory_space<vmem>> -> memref<128xi32, #tpu.memory_space<vmem>>
      %dma_start3A_308 = arith.constant 0 : i32
      %dma_start3A_309 = arith.constant 0 : i32
      %dma_start3A_310 = tpu.memref_slice %arg2[%dma_start3A_308, %dma_start3A_309] : memref<10000x128xf32, #tpu.memory_space<hbm>> -> memref<10000x128xf32, #tpu.memory_space<hbm>>
      tpu.enqueue_indirect_dma source(%dma_start3A_310 : memref<10000x128xf32, #tpu.memory_space<hbm>>) target(%arg10 : memref<128x128xf32, #tpu.memory_space<vmem>>) offsets(%dma_start3A_307 : memref<128xi32, #tpu.memory_space<vmem>>) semaphore(%arg12 : memref<!tpu.dma_semaphore, #tpu.memory_space<semaphore_mem>>)
      %mul3A_311 = arith.constant 128 : i32
      %mul3A_312 = arith.muli %add3A_302, %mul3A_311 : i32
      %dma_wait3A_313 = tpu.memref_slice %arg7[%mul3A_312] : memref<10240xi32, #tpu.memory_space<vmem>> -> memref<128xi32, #tpu.memory_space<vmem>>
      %dma_wait3A_314 = arith.constant 0 : i32
      %dma_wait3A_315 = arith.constant 0 : i32
      %dma_wait3A_316 = tpu.memref_slice %arg2[%dma_wait3A_314, %dma_wait3A_315] : memref<10000x128xf32, #tpu.memory_space<hbm>> -> memref<10000x128xf32, #tpu.memory_space<hbm>>
      tpu.wait_indirect_dma semaphore(%arg13 : memref<!tpu.dma_semaphore, #tpu.memory_space<semaphore_mem>>) src(%dma_wait3A_316 : memref<10000x128xf32, #tpu.memory_space<hbm>>) dst(%arg11 : memref<128x128xf32, #tpu.memory_space<vmem>>)
      %run_scoped3A_317 = arith.constant 3 : i32
      "tpu.region"() ({
        %run_scoped3A_389 = tpu.sem_alloc : memref<!tpu.dma_semaphore, #tpu.memory_space<semaphore_mem>>
        %dma_start3A_390 = arith.constant 0 : i32
        %dma_start3A_391 = tpu.memref_slice %arg9[%run_scoped3A_317, %dma_start3A_390] : memref<8x128xi32, #tpu.memory_space<vmem>> -> memref<1x128xi32, #tpu.memory_space<vmem>>
        %dma_start3A_392 = tpu.memref_squeeze %dma_start3A_391 : memref<1x128xi32, #tpu.memory_space<vmem>> -> memref<128xi32, #tpu.memory_space<vmem>>
        %dma_start3A_393 = arith.constant 0 : i32
        %dma_start3A_394 = arith.constant 0 : i32
        %dma_start3A_395 = tpu.memref_slice %arg6[%dma_start3A_393, %dma_start3A_394] : memref<10256x128xf32, #tpu.memory_space<vmem_shared>> -> memref<10256x128xf32, #tpu.memory_space<vmem_shared>>
        tpu.enqueue_indirect_dma source(%arg11 : memref<128x128xf32, #tpu.memory_space<vmem>>) target(%dma_start3A_395 : memref<10256x128xf32, #tpu.memory_space<vmem_shared>>) offsets(%dma_start3A_392 : memref<128xi32, #tpu.memory_space<vmem>>) semaphore(%run_scoped3A_389 : memref<!tpu.dma_semaphore, #tpu.memory_space<semaphore_mem>>) {add = true}
        %dma_wait3A_396 = arith.constant 0 : i32
        %dma_wait3A_397 = tpu.memref_slice %arg9[%run_scoped3A_317, %dma_wait3A_396] : memref<8x128xi32, #tpu.memory_space<vmem>> -> memref<1x128xi32, #tpu.memory_space<vmem>>
        %dma_wait3A_398 = tpu.memref_squeeze %dma_wait3A_397 : memref<1x128xi32, #tpu.memory_space<vmem>> -> memref<128xi32, #tpu.memory_space<vmem>>
        %dma_wait3A_399 = arith.constant 0 : i32
        %dma_wait3A_400 = arith.constant 0 : i32
        %dma_wait3A_401 = tpu.memref_slice %arg6[%dma_wait3A_399, %dma_wait3A_400] : memref<10256x128xf32, #tpu.memory_space<vmem_shared>> -> memref<10256x128xf32, #tpu.memory_space<vmem_shared>>
        tpu.wait_indirect_dma semaphore(%run_scoped3A_389 : memref<!tpu.dma_semaphore, #tpu.memory_space<semaphore_mem>>) src(%arg11 : memref<128x128xf32, #tpu.memory_space<vmem>>) dst(%dma_wait3A_401 : memref<10256x128xf32, #tpu.memory_space<vmem_shared>>)
        tpu.yield
      }) : () -> ()
      %add3A_318 = arith.constant 12 : i32
      %add3A_319 = arith.addi %mul3A_75, %add3A_318 : i32
      %add3A_320 = arith.constant 1 : i32
      %add3A_321 = arith.addi %add3A_319, %add3A_320 : i32
      %mul3A_322 = arith.constant 128 : i32
      %mul3A_323 = arith.muli %add3A_321, %mul3A_322 : i32
      %dma_start3A_324 = tpu.memref_slice %arg7[%mul3A_323] : memref<10240xi32, #tpu.memory_space<vmem>> -> memref<128xi32, #tpu.memory_space<vmem>>
      %dma_start3A_325 = arith.constant 0 : i32
      %dma_start3A_326 = arith.constant 0 : i32
      %dma_start3A_327 = tpu.memref_slice %arg2[%dma_start3A_325, %dma_start3A_326] : memref<10000x128xf32, #tpu.memory_space<hbm>> -> memref<10000x128xf32, #tpu.memory_space<hbm>>
      tpu.enqueue_indirect_dma source(%dma_start3A_327 : memref<10000x128xf32, #tpu.memory_space<hbm>>) target(%arg11 : memref<128x128xf32, #tpu.memory_space<vmem>>) offsets(%dma_start3A_324 : memref<128xi32, #tpu.memory_space<vmem>>) semaphore(%arg13 : memref<!tpu.dma_semaphore, #tpu.memory_space<semaphore_mem>>)
      %mul3A_328 = arith.constant 128 : i32
      %mul3A_329 = arith.muli %add3A_319, %mul3A_328 : i32
      %dma_wait3A_330 = tpu.memref_slice %arg7[%mul3A_329] : memref<10240xi32, #tpu.memory_space<vmem>> -> memref<128xi32, #tpu.memory_space<vmem>>
      %dma_wait3A_331 = arith.constant 0 : i32
      %dma_wait3A_332 = arith.constant 0 : i32
      %dma_wait3A_333 = tpu.memref_slice %arg2[%dma_wait3A_331, %dma_wait3A_332] : memref<10000x128xf32, #tpu.memory_space<hbm>> -> memref<10000x128xf32, #tpu.memory_space<hbm>>
      tpu.wait_indirect_dma semaphore(%arg12 : memref<!tpu.dma_semaphore, #tpu.memory_space<semaphore_mem>>) src(%dma_wait3A_333 : memref<10000x128xf32, #tpu.memory_space<hbm>>) dst(%arg10 : memref<128x128xf32, #tpu.memory_space<vmem>>)
      %run_scoped3A_334 = arith.constant 4 : i32
      "tpu.region"() ({
        %run_scoped3A_389 = tpu.sem_alloc : memref<!tpu.dma_semaphore, #tpu.memory_space<semaphore_mem>>
        %dma_start3A_390 = arith.constant 0 : i32
        %dma_start3A_391 = tpu.memref_slice %arg9[%run_scoped3A_334, %dma_start3A_390] : memref<8x128xi32, #tpu.memory_space<vmem>> -> memref<1x128xi32, #tpu.memory_space<vmem>>
        %dma_start3A_392 = tpu.memref_squeeze %dma_start3A_391 : memref<1x128xi32, #tpu.memory_space<vmem>> -> memref<128xi32, #tpu.memory_space<vmem>>
        %dma_start3A_393 = arith.constant 0 : i32
        %dma_start3A_394 = arith.constant 0 : i32
        %dma_start3A_395 = tpu.memref_slice %arg6[%dma_start3A_393, %dma_start3A_394] : memref<10256x128xf32, #tpu.memory_space<vmem_shared>> -> memref<10256x128xf32, #tpu.memory_space<vmem_shared>>
        tpu.enqueue_indirect_dma source(%arg10 : memref<128x128xf32, #tpu.memory_space<vmem>>) target(%dma_start3A_395 : memref<10256x128xf32, #tpu.memory_space<vmem_shared>>) offsets(%dma_start3A_392 : memref<128xi32, #tpu.memory_space<vmem>>) semaphore(%run_scoped3A_389 : memref<!tpu.dma_semaphore, #tpu.memory_space<semaphore_mem>>) {add = true}
        %dma_wait3A_396 = arith.constant 0 : i32
        %dma_wait3A_397 = tpu.memref_slice %arg9[%run_scoped3A_334, %dma_wait3A_396] : memref<8x128xi32, #tpu.memory_space<vmem>> -> memref<1x128xi32, #tpu.memory_space<vmem>>
        %dma_wait3A_398 = tpu.memref_squeeze %dma_wait3A_397 : memref<1x128xi32, #tpu.memory_space<vmem>> -> memref<128xi32, #tpu.memory_space<vmem>>
        %dma_wait3A_399 = arith.constant 0 : i32
        %dma_wait3A_400 = arith.constant 0 : i32
        %dma_wait3A_401 = tpu.memref_slice %arg6[%dma_wait3A_399, %dma_wait3A_400] : memref<10256x128xf32, #tpu.memory_space<vmem_shared>> -> memref<10256x128xf32, #tpu.memory_space<vmem_shared>>
        tpu.wait_indirect_dma semaphore(%run_scoped3A_389 : memref<!tpu.dma_semaphore, #tpu.memory_space<semaphore_mem>>) src(%arg10 : memref<128x128xf32, #tpu.memory_space<vmem>>) dst(%dma_wait3A_401 : memref<10256x128xf32, #tpu.memory_space<vmem_shared>>)
        tpu.yield
      }) : () -> ()
      %add3A_335 = arith.constant 13 : i32
      %add3A_336 = arith.addi %mul3A_75, %add3A_335 : i32
      %add3A_337 = arith.constant 1 : i32
      %add3A_338 = arith.addi %add3A_336, %add3A_337 : i32
      %mul3A_339 = arith.constant 128 : i32
      %mul3A_340 = arith.muli %add3A_338, %mul3A_339 : i32
      %dma_start3A_341 = tpu.memref_slice %arg7[%mul3A_340] : memref<10240xi32, #tpu.memory_space<vmem>> -> memref<128xi32, #tpu.memory_space<vmem>>
      %dma_start3A_342 = arith.constant 0 : i32
      %dma_start3A_343 = arith.constant 0 : i32
      %dma_start3A_344 = tpu.memref_slice %arg2[%dma_start3A_342, %dma_start3A_343] : memref<10000x128xf32, #tpu.memory_space<hbm>> -> memref<10000x128xf32, #tpu.memory_space<hbm>>
      tpu.enqueue_indirect_dma source(%dma_start3A_344 : memref<10000x128xf32, #tpu.memory_space<hbm>>) target(%arg10 : memref<128x128xf32, #tpu.memory_space<vmem>>) offsets(%dma_start3A_341 : memref<128xi32, #tpu.memory_space<vmem>>) semaphore(%arg12 : memref<!tpu.dma_semaphore, #tpu.memory_space<semaphore_mem>>)
      %mul3A_345 = arith.constant 128 : i32
      %mul3A_346 = arith.muli %add3A_336, %mul3A_345 : i32
      %dma_wait3A_347 = tpu.memref_slice %arg7[%mul3A_346] : memref<10240xi32, #tpu.memory_space<vmem>> -> memref<128xi32, #tpu.memory_space<vmem>>
      %dma_wait3A_348 = arith.constant 0 : i32
      %dma_wait3A_349 = arith.constant 0 : i32
      %dma_wait3A_350 = tpu.memref_slice %arg2[%dma_wait3A_348, %dma_wait3A_349] : memref<10000x128xf32, #tpu.memory_space<hbm>> -> memref<10000x128xf32, #tpu.memory_space<hbm>>
      tpu.wait_indirect_dma semaphore(%arg13 : memref<!tpu.dma_semaphore, #tpu.memory_space<semaphore_mem>>) src(%dma_wait3A_350 : memref<10000x128xf32, #tpu.memory_space<hbm>>) dst(%arg11 : memref<128x128xf32, #tpu.memory_space<vmem>>)
      %run_scoped3A_351 = arith.constant 5 : i32
      "tpu.region"() ({
        %run_scoped3A_389 = tpu.sem_alloc : memref<!tpu.dma_semaphore, #tpu.memory_space<semaphore_mem>>
        %dma_start3A_390 = arith.constant 0 : i32
        %dma_start3A_391 = tpu.memref_slice %arg9[%run_scoped3A_351, %dma_start3A_390] : memref<8x128xi32, #tpu.memory_space<vmem>> -> memref<1x128xi32, #tpu.memory_space<vmem>>
        %dma_start3A_392 = tpu.memref_squeeze %dma_start3A_391 : memref<1x128xi32, #tpu.memory_space<vmem>> -> memref<128xi32, #tpu.memory_space<vmem>>
        %dma_start3A_393 = arith.constant 0 : i32
        %dma_start3A_394 = arith.constant 0 : i32
        %dma_start3A_395 = tpu.memref_slice %arg6[%dma_start3A_393, %dma_start3A_394] : memref<10256x128xf32, #tpu.memory_space<vmem_shared>> -> memref<10256x128xf32, #tpu.memory_space<vmem_shared>>
        tpu.enqueue_indirect_dma source(%arg11 : memref<128x128xf32, #tpu.memory_space<vmem>>) target(%dma_start3A_395 : memref<10256x128xf32, #tpu.memory_space<vmem_shared>>) offsets(%dma_start3A_392 : memref<128xi32, #tpu.memory_space<vmem>>) semaphore(%run_scoped3A_389 : memref<!tpu.dma_semaphore, #tpu.memory_space<semaphore_mem>>) {add = true}
        %dma_wait3A_396 = arith.constant 0 : i32
        %dma_wait3A_397 = tpu.memref_slice %arg9[%run_scoped3A_351, %dma_wait3A_396] : memref<8x128xi32, #tpu.memory_space<vmem>> -> memref<1x128xi32, #tpu.memory_space<vmem>>
        %dma_wait3A_398 = tpu.memref_squeeze %dma_wait3A_397 : memref<1x128xi32, #tpu.memory_space<vmem>> -> memref<128xi32, #tpu.memory_space<vmem>>
        %dma_wait3A_399 = arith.constant 0 : i32
        %dma_wait3A_400 = arith.constant 0 : i32
        %dma_wait3A_401 = tpu.memref_slice %arg6[%dma_wait3A_399, %dma_wait3A_400] : memref<10256x128xf32, #tpu.memory_space<vmem_shared>> -> memref<10256x128xf32, #tpu.memory_space<vmem_shared>>
        tpu.wait_indirect_dma semaphore(%run_scoped3A_389 : memref<!tpu.dma_semaphore, #tpu.memory_space<semaphore_mem>>) src(%arg11 : memref<128x128xf32, #tpu.memory_space<vmem>>) dst(%dma_wait3A_401 : memref<10256x128xf32, #tpu.memory_space<vmem_shared>>)
        tpu.yield
      }) : () -> ()
      %add3A_352 = arith.constant 14 : i32
      %add3A_353 = arith.addi %mul3A_75, %add3A_352 : i32
      %add3A_354 = arith.constant 1 : i32
      %add3A_355 = arith.addi %add3A_353, %add3A_354 : i32
      %mul3A_356 = arith.constant 128 : i32
      %mul3A_357 = arith.muli %add3A_355, %mul3A_356 : i32
      %dma_start3A_358 = tpu.memref_slice %arg7[%mul3A_357] : memref<10240xi32, #tpu.memory_space<vmem>> -> memref<128xi32, #tpu.memory_space<vmem>>
      %dma_start3A_359 = arith.constant 0 : i32
      %dma_start3A_360 = arith.constant 0 : i32
      %dma_start3A_361 = tpu.memref_slice %arg2[%dma_start3A_359, %dma_start3A_360] : memref<10000x128xf32, #tpu.memory_space<hbm>> -> memref<10000x128xf32, #tpu.memory_space<hbm>>
      tpu.enqueue_indirect_dma source(%dma_start3A_361 : memref<10000x128xf32, #tpu.memory_space<hbm>>) target(%arg11 : memref<128x128xf32, #tpu.memory_space<vmem>>) offsets(%dma_start3A_358 : memref<128xi32, #tpu.memory_space<vmem>>) semaphore(%arg13 : memref<!tpu.dma_semaphore, #tpu.memory_space<semaphore_mem>>)
      %mul3A_362 = arith.constant 128 : i32
      %mul3A_363 = arith.muli %add3A_353, %mul3A_362 : i32
      %dma_wait3A_364 = tpu.memref_slice %arg7[%mul3A_363] : memref<10240xi32, #tpu.memory_space<vmem>> -> memref<128xi32, #tpu.memory_space<vmem>>
      %dma_wait3A_365 = arith.constant 0 : i32
      %dma_wait3A_366 = arith.constant 0 : i32
      %dma_wait3A_367 = tpu.memref_slice %arg2[%dma_wait3A_365, %dma_wait3A_366] : memref<10000x128xf32, #tpu.memory_space<hbm>> -> memref<10000x128xf32, #tpu.memory_space<hbm>>
      tpu.wait_indirect_dma semaphore(%arg12 : memref<!tpu.dma_semaphore, #tpu.memory_space<semaphore_mem>>) src(%dma_wait3A_367 : memref<10000x128xf32, #tpu.memory_space<hbm>>) dst(%arg10 : memref<128x128xf32, #tpu.memory_space<vmem>>)
      %run_scoped3A_368 = arith.constant 6 : i32
      "tpu.region"() ({
        %run_scoped3A_389 = tpu.sem_alloc : memref<!tpu.dma_semaphore, #tpu.memory_space<semaphore_mem>>
        %dma_start3A_390 = arith.constant 0 : i32
        %dma_start3A_391 = tpu.memref_slice %arg9[%run_scoped3A_368, %dma_start3A_390] : memref<8x128xi32, #tpu.memory_space<vmem>> -> memref<1x128xi32, #tpu.memory_space<vmem>>
        %dma_start3A_392 = tpu.memref_squeeze %dma_start3A_391 : memref<1x128xi32, #tpu.memory_space<vmem>> -> memref<128xi32, #tpu.memory_space<vmem>>
        %dma_start3A_393 = arith.constant 0 : i32
        %dma_start3A_394 = arith.constant 0 : i32
        %dma_start3A_395 = tpu.memref_slice %arg6[%dma_start3A_393, %dma_start3A_394] : memref<10256x128xf32, #tpu.memory_space<vmem_shared>> -> memref<10256x128xf32, #tpu.memory_space<vmem_shared>>
        tpu.enqueue_indirect_dma source(%arg10 : memref<128x128xf32, #tpu.memory_space<vmem>>) target(%dma_start3A_395 : memref<10256x128xf32, #tpu.memory_space<vmem_shared>>) offsets(%dma_start3A_392 : memref<128xi32, #tpu.memory_space<vmem>>) semaphore(%run_scoped3A_389 : memref<!tpu.dma_semaphore, #tpu.memory_space<semaphore_mem>>) {add = true}
        %dma_wait3A_396 = arith.constant 0 : i32
        %dma_wait3A_397 = tpu.memref_slice %arg9[%run_scoped3A_368, %dma_wait3A_396] : memref<8x128xi32, #tpu.memory_space<vmem>> -> memref<1x128xi32, #tpu.memory_space<vmem>>
        %dma_wait3A_398 = tpu.memref_squeeze %dma_wait3A_397 : memref<1x128xi32, #tpu.memory_space<vmem>> -> memref<128xi32, #tpu.memory_space<vmem>>
        %dma_wait3A_399 = arith.constant 0 : i32
        %dma_wait3A_400 = arith.constant 0 : i32
        %dma_wait3A_401 = tpu.memref_slice %arg6[%dma_wait3A_399, %dma_wait3A_400] : memref<10256x128xf32, #tpu.memory_space<vmem_shared>> -> memref<10256x128xf32, #tpu.memory_space<vmem_shared>>
        tpu.wait_indirect_dma semaphore(%run_scoped3A_389 : memref<!tpu.dma_semaphore, #tpu.memory_space<semaphore_mem>>) src(%arg10 : memref<128x128xf32, #tpu.memory_space<vmem>>) dst(%dma_wait3A_401 : memref<10256x128xf32, #tpu.memory_space<vmem_shared>>)
        tpu.yield
      }) : () -> ()
      %add3A_369 = arith.constant 15 : i32
      %add3A_370 = arith.addi %mul3A_75, %add3A_369 : i32
      %lt3A_371 = arith.constant 4 : i32
      %lt3A_372 = arith.cmpi slt, %scan3A_72, %lt3A_371 : i32
      %convert_element_type3A_373 = arith.extui %lt3A_372 : i1 to i32
      %cond3A_374 = arith.constant 0 : i32
      %cond3A_375 = arith.cmpi ne, %convert_element_type3A_373, %cond3A_374 : i32
      scf.if %cond3A_375 {
        %add3A_389 = arith.constant 1 : i32
        %add3A_390 = arith.addi %add3A_370, %add3A_389 : i32
        %mul3A_391 = arith.constant 128 : i32
        %mul3A_392 = arith.muli %add3A_390, %mul3A_391 : i32
        %dma_start3A_393 = tpu.memref_slice %arg7[%mul3A_392] : memref<10240xi32, #tpu.memory_space<vmem>> -> memref<128xi32, #tpu.memory_space<vmem>>
        %dma_start3A_394 = arith.constant 0 : i32
        %dma_start3A_395 = arith.constant 0 : i32
        %dma_start3A_396 = tpu.memref_slice %arg2[%dma_start3A_394, %dma_start3A_395] : memref<10000x128xf32, #tpu.memory_space<hbm>> -> memref<10000x128xf32, #tpu.memory_space<hbm>>
        tpu.enqueue_indirect_dma source(%dma_start3A_396 : memref<10000x128xf32, #tpu.memory_space<hbm>>) target(%arg10 : memref<128x128xf32, #tpu.memory_space<vmem>>) offsets(%dma_start3A_393 : memref<128xi32, #tpu.memory_space<vmem>>) semaphore(%arg12 : memref<!tpu.dma_semaphore, #tpu.memory_space<semaphore_mem>>)
      } else {
      }
      %mul3A_376 = arith.constant 128 : i32
      %mul3A_377 = arith.muli %add3A_370, %mul3A_376 : i32
      %dma_wait3A_378 = tpu.memref_slice %arg7[%mul3A_377] : memref<10240xi32, #tpu.memory_space<vmem>> -> memref<128xi32, #tpu.memory_space<vmem>>
      %dma_wait3A_379 = arith.constant 0 : i32
      %dma_wait3A_380 = arith.constant 0 : i32
      %dma_wait3A_381 = tpu.memref_slice %arg2[%dma_wait3A_379, %dma_wait3A_380] : memref<10000x128xf32, #tpu.memory_space<hbm>> -> memref<10000x128xf32, #tpu.memory_space<hbm>>
      tpu.wait_indirect_dma semaphore(%arg13 : memref<!tpu.dma_semaphore, #tpu.memory_space<semaphore_mem>>) src(%dma_wait3A_381 : memref<10000x128xf32, #tpu.memory_space<hbm>>) dst(%arg11 : memref<128x128xf32, #tpu.memory_space<vmem>>)
      %run_scoped3A_382 = arith.constant 7 : i32
      "tpu.region"() ({
        %run_scoped3A_389 = tpu.sem_alloc : memref<!tpu.dma_semaphore, #tpu.memory_space<semaphore_mem>>
        %dma_start3A_390 = arith.constant 0 : i32
        %dma_start3A_391 = tpu.memref_slice %arg9[%run_scoped3A_382, %dma_start3A_390] : memref<8x128xi32, #tpu.memory_space<vmem>> -> memref<1x128xi32, #tpu.memory_space<vmem>>
        %dma_start3A_392 = tpu.memref_squeeze %dma_start3A_391 : memref<1x128xi32, #tpu.memory_space<vmem>> -> memref<128xi32, #tpu.memory_space<vmem>>
        %dma_start3A_393 = arith.constant 0 : i32
        %dma_start3A_394 = arith.constant 0 : i32
        %dma_start3A_395 = tpu.memref_slice %arg6[%dma_start3A_393, %dma_start3A_394] : memref<10256x128xf32, #tpu.memory_space<vmem_shared>> -> memref<10256x128xf32, #tpu.memory_space<vmem_shared>>
        tpu.enqueue_indirect_dma source(%arg11 : memref<128x128xf32, #tpu.memory_space<vmem>>) target(%dma_start3A_395 : memref<10256x128xf32, #tpu.memory_space<vmem_shared>>) offsets(%dma_start3A_392 : memref<128xi32, #tpu.memory_space<vmem>>) semaphore(%run_scoped3A_389 : memref<!tpu.dma_semaphore, #tpu.memory_space<semaphore_mem>>) {add = true}
        %dma_wait3A_396 = arith.constant 0 : i32
        %dma_wait3A_397 = tpu.memref_slice %arg9[%run_scoped3A_382, %dma_wait3A_396] : memref<8x128xi32, #tpu.memory_space<vmem>> -> memref<1x128xi32, #tpu.memory_space<vmem>>
        %dma_wait3A_398 = tpu.memref_squeeze %dma_wait3A_397 : memref<1x128xi32, #tpu.memory_space<vmem>> -> memref<128xi32, #tpu.memory_space<vmem>>
        %dma_wait3A_399 = arith.constant 0 : i32
        %dma_wait3A_400 = arith.constant 0 : i32
        %dma_wait3A_401 = tpu.memref_slice %arg6[%dma_wait3A_399, %dma_wait3A_400] : memref<10256x128xf32, #tpu.memory_space<vmem_shared>> -> memref<10256x128xf32, #tpu.memory_space<vmem_shared>>
        tpu.wait_indirect_dma semaphore(%run_scoped3A_389 : memref<!tpu.dma_semaphore, #tpu.memory_space<semaphore_mem>>) src(%arg11 : memref<128x128xf32, #tpu.memory_space<vmem>>) dst(%dma_wait3A_401 : memref<10256x128xf32, #tpu.memory_space<vmem_shared>>)
        tpu.yield
      }) : () -> ()
      %lt3A_383 = arith.constant 4 : i32
      %lt3A_384 = arith.cmpi slt, %scan3A_72, %lt3A_383 : i32
      %convert_element_type3A_385 = arith.extui %lt3A_384 : i1 to i32
      %cond3A_386 = arith.constant 0 : i32
      %cond3A_387 = arith.cmpi ne, %convert_element_type3A_385, %cond3A_386 : i32
      scf.if %cond3A_387 {
        %mul3A_389 = arith.constant 2 : i32
        %mul3A_390 = arith.muli %mul3A_389, %scan3A_72 : i32
        %add3A_391 = arith.constant 3 : i32
        %add3A_392 = arith.addi %mul3A_390, %add3A_391 : i32
        %dma_start3A_393 = arith.constant 0 : i32
        %dma_start3A_394 = arith.constant 0 : i32
        %dma_start3A_395 = arith.constant 0 : i32
        %dma_start3A_396 = tpu.memref_slice %arg4[%add3A, %dma_start3A_393, %dma_start3A_394, %dma_start3A_395] : memref<32x10x8x128xi32, #tpu.memory_space<hbm>> -> memref<1x10x8x128xi32, #tpu.memory_space<hbm>>
        %dma_start3A_397 = tpu.memref_squeeze %dma_start3A_396 : memref<1x10x8x128xi32, #tpu.memory_space<hbm>> -> memref<10x8x128xi32, #tpu.memory_space<hbm>>
        %dma_start3A_398 = arith.constant 0 : i32
        %dma_start3A_399 = arith.constant 0 : i32
        %dma_start3A_400 = tpu.memref_slice %dma_start3A_397[%add3A_392, %dma_start3A_398, %dma_start3A_399] : memref<10x8x128xi32, #tpu.memory_space<hbm>> -> memref<1x8x128xi32, #tpu.memory_space<hbm>>
        %dma_start3A_401 = tpu.memref_squeeze %dma_start3A_400 : memref<1x8x128xi32, #tpu.memory_space<hbm>> -> memref<8x128xi32, #tpu.memory_space<hbm>>
        %dma_start3A_402 = arith.constant 0 : i32
        %dma_start3A_403 = arith.constant 0 : i32
        %dma_start3A_404 = arith.constant 0 : i32
        %dma_start3A_405 = tpu.memref_slice %arg4[%add3A, %dma_start3A_402, %dma_start3A_403, %dma_start3A_404] : memref<32x10x8x128xi32, #tpu.memory_space<hbm>> -> memref<1x10x8x128xi32, #tpu.memory_space<hbm>>
        %dma_start3A_406 = tpu.memref_squeeze %dma_start3A_405 : memref<1x10x8x128xi32, #tpu.memory_space<hbm>> -> memref<10x8x128xi32, #tpu.memory_space<hbm>>
        %dma_start3A_407 = arith.constant 0 : i32
        %dma_start3A_408 = arith.constant 0 : i32
        %dma_start3A_409 = tpu.memref_slice %dma_start3A_406[%add3A_392, %dma_start3A_407, %dma_start3A_408] : memref<10x8x128xi32, #tpu.memory_space<hbm>> -> memref<1x8x128xi32, #tpu.memory_space<hbm>>
        %dma_start3A_410 = tpu.memref_squeeze %dma_start3A_409 : memref<1x8x128xi32, #tpu.memory_space<hbm>> -> memref<8x128xi32, #tpu.memory_space<hbm>>
        tpu.enqueue_dma source(%dma_start3A_410 : memref<8x128xi32, #tpu.memory_space<hbm>>) target(%arg9 : memref<8x128xi32, #tpu.memory_space<vmem>>) target_semaphore(%arg15 : memref<!tpu.dma_semaphore, #tpu.memory_space<semaphore_mem>>)
      } else {
      }
      %scan3A_388 = arith.constant 0 : i32
      scf.yield %scan3A_388 : i32
    }
    %scan3A_63 = arith.constant 5 : i32
    %barrier3A_64 = arith.constant 0 : index
    tpu.barrier barrier_id(%barrier3A_64)
    %scan3A_65 = arith.constant 0 : i32
    %scan3A_66 = arith.constant 0 : i32
    %scan3A_67 = arith.constant 40 : i32
    %scan3A_68 = arith.addi %scan3A_66, %scan3A_67 : i32
    %scan3A_69 = arith.constant 1 : i32
    %scan3A_70 = scf.for %scan3A_72 = %scan3A_66 to %scan3A_68 step %scan3A_69 iter_args(%scan3A_73 = %scan3A_65) -> (i32)  : i32 {
      %mul3A_74 = arith.constant 16 : i32
      %mul3A_75 = arith.muli %scan3A_72, %mul3A_74 : i32
      %add3A_76 = arith.addi %mul3A_75, %arg1 : i32
      %lt3A = arith.constant 625 : i32
      %lt3A_77 = arith.cmpi slt, %add3A_76, %lt3A : i32
      %convert_element_type3A = arith.extui %lt3A_77 : i1 to i32
      %cond3A = arith.constant 0 : i32
      %cond3A_78 = arith.cmpi ne, %convert_element_type3A, %cond3A : i32
      scf.if %cond3A_78 {
        %mul3A_80 = arith.constant 16 : i32
        %mul3A_81 = arith.muli %add3A_76, %mul3A_80 : i32
        %mul3A_82 = arith.constant 16 : i32
        %mul3A_83 = arith.muli %add3A_76, %mul3A_82 : i32
        "tpu.region"() ({
          %run_scoped3A = tpu.sem_alloc : memref<!tpu.dma_semaphore, #tpu.memory_space<semaphore_mem>>
          %dma_start3A_84 = arith.constant 0 : i32
          %dma_start3A_85 = arith.constant 0 : i32
          %dma_start3A_86 = tpu.memref_slice %arg5[%arg0, %dma_start3A_84, %dma_start3A_85] : memref<2x10000x128xf32, #tpu.memory_space<hbm>> -> memref<1x10000x128xf32, #tpu.memory_space<hbm>>
          %dma_start3A_87 = tpu.memref_squeeze %dma_start3A_86 : memref<1x10000x128xf32, #tpu.memory_space<hbm>> -> memref<10000x128xf32, #tpu.memory_space<hbm>>
          %dma_start3A_88 = arith.constant 0 : i32
          %dma_start3A_89 = tpu.memref_slice %dma_start3A_87[%mul3A_83, %dma_start3A_88] : memref<10000x128xf32, #tpu.memory_space<hbm>> -> memref<16x128xf32, #tpu.memory_space<hbm>>
          %dma_start3A_90 = arith.constant 0 : i32
          %dma_start3A_91 = tpu.memref_slice %arg6[%mul3A_81, %dma_start3A_90] : memref<10256x128xf32, #tpu.memory_space<vmem_shared>> -> memref<16x128xf32, #tpu.memory_space<vmem_shared>>
          tpu.enqueue_dma source(%dma_start3A_91 : memref<16x128xf32, #tpu.memory_space<vmem_shared>>) target(%dma_start3A_89 : memref<16x128xf32, #tpu.memory_space<hbm>>) target_semaphore(%run_scoped3A : memref<!tpu.dma_semaphore, #tpu.memory_space<semaphore_mem>>)
          %dma_wait3A = arith.constant 0 : i32
          %dma_wait3A_92 = arith.constant 0 : i32
          %dma_wait3A_93 = tpu.memref_slice %arg5[%arg0, %dma_wait3A, %dma_wait3A_92] : memref<2x10000x128xf32, #tpu.memory_space<hbm>> -> memref<1x10000x128xf32, #tpu.memory_space<hbm>>
          %dma_wait3A_94 = tpu.memref_squeeze %dma_wait3A_93 : memref<1x10000x128xf32, #tpu.memory_space<hbm>> -> memref<10000x128xf32, #tpu.memory_space<hbm>>
          %dma_wait3A_95 = arith.constant 0 : i32
          %dma_wait3A_96 = tpu.memref_slice %dma_wait3A_94[%mul3A_83, %dma_wait3A_95] : memref<10000x128xf32, #tpu.memory_space<hbm>> -> memref<16x128xf32, #tpu.memory_space<hbm>>
          %dma_wait3A_97 = arith.constant 0 : i32
          %dma_wait3A_98 = tpu.memref_slice %arg6[%mul3A_81, %dma_wait3A_97] : memref<10256x128xf32, #tpu.memory_space<vmem_shared>> -> memref<16x128xf32, #tpu.memory_space<vmem_shared>>
          tpu.wait_dma2 semaphore(%run_scoped3A : memref<!tpu.dma_semaphore, #tpu.memory_space<semaphore_mem>>) src(%dma_wait3A_98 : memref<16x128xf32, #tpu.memory_space<vmem_shared>>) dst(%dma_wait3A_96 : memref<16x128xf32, #tpu.memory_space<hbm>>)
          tpu.yield
        }) : () -> ()
      } else {
      }
      %scan3A_79 = arith.constant 0 : i32
      scf.yield %scan3A_79 : i32
    }
    %scan3A_71 = arith.constant 40 : i32
    return
  }
}

module attributes {stable_mosaic.version = 14 : i64} {
  func.func @_pre_body(%arg0: i32, %arg1: memref<2000x128xf32, #tpu.memory_space<vmem>>, %arg2: memref<128x128xf32, #tpu.memory_space<vmem>>, %arg3: memref<2000x32xi32, #tpu.memory_space<vmem>>, %arg4: memref<2000x128xf32, #tpu.memory_space<vmem>>) attributes {dimension_semantics = [#tpu.dimension_semantics<arbitrary>], iteration_bounds = array<i64: 5>, scalar_prefetch = 0 : i64, scratch_operands = 0 : i64, tpu.core_type = #tpu.core_type<tc>, window_params = [{transform_indices = @transform_0, window_bounds = array<i64: 2000, 128>}, {pipeline_mode = #tpu.pipeline_mode<synchronous>, transform_indices = @transform_1, window_bounds = array<i64: 128, 128>}, {transform_indices = @transform_2, window_bounds = array<i64: 2000, 32>}, {transform_indices = @transform_3, window_bounds = array<i64: 2000, 128>}]} {
    %get3A = arith.constant 0 : index
    %get3A_0 = arith.constant 0 : index
    %get3A_1 = vector.load %arg3[%get3A, %get3A_0] : memref<2000x32xi32, #tpu.memory_space<vmem>>, vector<2000x32xi32>
    %reduce_sum3A = arith.constant dense<0> : vector<2000xi32>
    %reduce_sum3A_2 = vector.multi_reduction <add>, %get3A_1, %reduce_sum3A [1] : vector<2000x32xi32> to vector<2000xi32>
    %convert_element_type3A = arith.sitofp %reduce_sum3A_2 : vector<2000xi32> to vector<2000xf32>
    %add3A = arith.constant 1.000000e+00 : f32
    %add3A_3 = vector.broadcast %add3A : f32 to vector<2000xf32>
    %add3A_4 = arith.addf %convert_element_type3A, %add3A_3 : vector<2000xf32>
    %rsqrt3A = math.rsqrt %add3A_4 : vector<2000xf32>
    %get3A_5 = arith.constant 0 : index
    %get3A_6 = arith.constant 0 : index
    %get3A_7 = vector.load %arg1[%get3A_5, %get3A_6] : memref<2000x128xf32, #tpu.memory_space<vmem>>, vector<2000x128xf32>
    %get3A_8 = arith.constant 0 : index
    %get3A_9 = arith.constant 0 : index
    %get3A_10 = vector.load %arg2[%get3A_8, %get3A_9] : memref<128x128xf32, #tpu.memory_space<vmem>>, vector<128x128xf32>
    %dot_general3A = arith.constant dense<0.000000e+00> : vector<2000x128xf32>
    %dot_general3A_11 = tpu.matmul %get3A_7, %get3A_10, %dot_general3A {dimension_numbers = #tpu.dot_dimension_numbers<[1], [0], [0], [1], [0, 0, 1, 1], [], []>, transpose_lhs_hint = false} : vector<2000x128xf32>, vector<128x128xf32>, vector<2000x128xf32> -> vector<2000x128xf32>
    %broadcast_in_dim3A = vector.shape_cast %rsqrt3A : vector<2000xf32> to vector<2000x1xf32>
    %mul3A = vector.broadcast %broadcast_in_dim3A : vector<2000x1xf32> to vector<2000x128xf32>
    %mul3A_12 = arith.mulf %dot_general3A_11, %mul3A : vector<2000x128xf32>
    %swap3A = arith.constant 0 : index
    %swap3A_13 = arith.constant 0 : index
    %swap3A_14 = vector.load %arg4[%swap3A, %swap3A_13] : memref<2000x128xf32, #tpu.memory_space<vmem>>, vector<2000x128xf32>
    tpu.vector_store %arg4[%swap3A, %swap3A_13], %mul3A_12 {strides = array<i32>} : memref<2000x128xf32, #tpu.memory_space<vmem>>, vector<2000x128xf32>,
    return
  }
  func.func @transform_0(%arg0: i32) -> (i32, i32) {
    %c0_i32 = arith.constant 0 : i32
    %c0_i32_0 = arith.constant 0 : i32
    return %arg0, %c0_i32 : i32, i32
  }
  func.func @transform_1(%arg0: i32) -> (i32, i32) {
    %c0_i32 = arith.constant 0 : i32
    %c0_i32_0 = arith.constant 0 : i32
    %c0_i32_1 = arith.constant 0 : i32
    return %c0_i32, %c0_i32_0 : i32, i32
  }
  func.func @transform_2(%arg0: i32) -> (i32, i32) {
    %c0_i32 = arith.constant 0 : i32
    %c0_i32_0 = arith.constant 0 : i32
    return %arg0, %c0_i32 : i32, i32
  }
  func.func @transform_3(%arg0: i32) -> (i32, i32) {
    %c0_i32 = arith.constant 0 : i32
    %c0_i32_0 = arith.constant 0 : i32
    return %arg0, %c0_i32 : i32, i32
  }
}

module attributes {stable_mosaic.version = 14 : i64} {
  func.func @_post_body(%arg0: i32, %arg1: memref<2x2000x128xf32, #tpu.memory_space<vmem>>, %arg2: memref<2000x128xf32, #tpu.memory_space<vmem>>, %arg3: memref<2000x128xf32, #tpu.memory_space<vmem>>, %arg4: memref<2000x32xi32, #tpu.memory_space<vmem>>, %arg5: memref<1x128xf32, #tpu.memory_space<vmem>>, %arg6: memref<1x128xf32, #tpu.memory_space<vmem>>, %arg7: memref<1x128xf32, #tpu.memory_space<vmem>>, %arg8: memref<2000x128xf32, #tpu.memory_space<vmem>>) attributes {dimension_semantics = [#tpu.dimension_semantics<arbitrary>], iteration_bounds = array<i64: 5>, scalar_prefetch = 0 : i64, scratch_operands = 0 : i64, tpu.core_type = #tpu.core_type<tc>, window_params = [{transform_indices = @transform_0, window_bounds = array<i64: 2, 2000, 128>}, {transform_indices = @transform_1, window_bounds = array<i64: 2000, 128>}, {transform_indices = @transform_2, window_bounds = array<i64: 2000, 128>}, {transform_indices = @transform_3, window_bounds = array<i64: 2000, 32>}, {pipeline_mode = #tpu.pipeline_mode<synchronous>, transform_indices = @transform_4, window_bounds = array<i64: 1, 128>}, {pipeline_mode = #tpu.pipeline_mode<synchronous>, transform_indices = @transform_5, window_bounds = array<i64: 1, 128>}, {pipeline_mode = #tpu.pipeline_mode<synchronous>, transform_indices = @transform_6, window_bounds = array<i64: 1, 128>}, {transform_indices = @transform_7, window_bounds = array<i64: 2000, 128>}]} {
    %get3A = arith.constant 0 : index
    %get3A_0 = arith.constant 0 : index
    %get3A_1 = vector.load %arg4[%get3A, %get3A_0] : memref<2000x32xi32, #tpu.memory_space<vmem>>, vector<2000x32xi32>
    %reduce_sum3A = arith.constant dense<0> : vector<2000xi32>
    %reduce_sum3A_2 = vector.multi_reduction <add>, %get3A_1, %reduce_sum3A [1] : vector<2000x32xi32> to vector<2000xi32>
    %convert_element_type3A = arith.sitofp %reduce_sum3A_2 : vector<2000xi32> to vector<2000xf32>
    %add3A = arith.constant 1.000000e+00 : f32
    %add3A_3 = vector.broadcast %add3A : f32 to vector<2000xf32>
    %add3A_4 = arith.addf %convert_element_type3A, %add3A_3 : vector<2000xf32>
    %rsqrt3A = math.rsqrt %add3A_4 : vector<2000xf32>
    %get3A_5 = arith.constant 0 : index
    %get3A_6 = arith.constant 0 : index
    %get3A_7 = arith.constant 0 : index
    %get3A_8 = vector.load %arg1[%get3A_5, %get3A_6, %get3A_7] : memref<2x2000x128xf32, #tpu.memory_space<vmem>>, vector<1x2000x128xf32>
    %get3A_9 = vector.shape_cast %get3A_8 : vector<1x2000x128xf32> to vector<2000x128xf32>
    %get3A_10 = arith.constant 1 : index
    %get3A_11 = arith.constant 0 : index
    %get3A_12 = arith.constant 0 : index
    %get3A_13 = vector.load %arg1[%get3A_10, %get3A_11, %get3A_12] : memref<2x2000x128xf32, #tpu.memory_space<vmem>>, vector<1x2000x128xf32>
    %get3A_14 = vector.shape_cast %get3A_13 : vector<1x2000x128xf32> to vector<2000x128xf32>
    %add3A_15 = arith.addf %get3A_9, %get3A_14 : vector<2000x128xf32>
    %broadcast_in_dim3A = vector.shape_cast %rsqrt3A : vector<2000xf32> to vector<2000x1xf32>
    %get3A_16 = arith.constant 0 : index
    %get3A_17 = arith.constant 0 : index
    %get3A_18 = vector.load %arg2[%get3A_16, %get3A_17] : memref<2000x128xf32, #tpu.memory_space<vmem>>, vector<2000x128xf32>
    %add3A_19 = arith.addf %add3A_15, %get3A_18 : vector<2000x128xf32>
    %mul3A = vector.broadcast %broadcast_in_dim3A : vector<2000x1xf32> to vector<2000x128xf32>
    %mul3A_20 = arith.mulf %mul3A, %add3A_19 : vector<2000x128xf32>
    %get3A_21 = arith.constant 0 : index
    %get3A_22 = arith.constant 0 : index
    %get3A_23 = vector.load %arg5[%get3A_21, %get3A_22] : memref<1x128xf32, #tpu.memory_space<vmem>>, vector<1x128xf32>
    %add3A_24 = vector.broadcast %get3A_23 : vector<1x128xf32> to vector<2000x128xf32>
    %add3A_25 = arith.addf %mul3A_20, %add3A_24 : vector<2000x128xf32>
    %max3A = arith.constant 0.000000e+00 : f32
    %max3A_26 = vector.broadcast %max3A : f32 to vector<2000x128xf32>
    %max3A_27 = arith.maximumf %add3A_25, %max3A_26 : vector<2000x128xf32>
    %get3A_28 = arith.constant 0 : index
    %get3A_29 = arith.constant 0 : index
    %get3A_30 = vector.load %arg3[%get3A_28, %get3A_29] : memref<2000x128xf32, #tpu.memory_space<vmem>>, vector<2000x128xf32>
    %add3A_31 = arith.addf %max3A_27, %get3A_30 : vector<2000x128xf32>
    %reduce_sum3A_32 = arith.constant dense<0.000000e+00> : vector<2000xf32>
    %reduce_sum3A_33 = vector.multi_reduction <add>, %add3A_31, %reduce_sum3A_32 [1] : vector<2000x128xf32> to vector<2000xf32>
    %broadcast_in_dim3A_34 = vector.shape_cast %reduce_sum3A_33 : vector<2000xf32> to vector<2000x1xf32>
    %div3A = arith.constant 1.280000e+02 : f32
    %div3A_35 = vector.broadcast %div3A : f32 to vector<2000x1xf32>
    %div3A_36 = arith.divf %broadcast_in_dim3A_34, %div3A_35 : vector<2000x1xf32>
    %sub3A = vector.broadcast %div3A_36 : vector<2000x1xf32> to vector<2000x128xf32>
    %sub3A_37 = arith.subf %add3A_31, %sub3A : vector<2000x128xf32>
    %mul3A_38 = arith.mulf %sub3A_37, %sub3A_37 : vector<2000x128xf32>
    %reduce_sum3A_39 = arith.constant dense<0.000000e+00> : vector<2000xf32>
    %reduce_sum3A_40 = vector.multi_reduction <add>, %mul3A_38, %reduce_sum3A_39 [1] : vector<2000x128xf32> to vector<2000xf32>
    %broadcast_in_dim3A_41 = vector.shape_cast %reduce_sum3A_40 : vector<2000xf32> to vector<2000x1xf32>
    %div3A_42 = arith.constant 1.280000e+02 : f32
    %div3A_43 = vector.broadcast %div3A_42 : f32 to vector<2000x1xf32>
    %div3A_44 = arith.divf %broadcast_in_dim3A_41, %div3A_43 : vector<2000x1xf32>
    %add3A_45 = arith.constant 9.99999993E-9 : f32
    %add3A_46 = vector.broadcast %add3A_45 : f32 to vector<2000x1xf32>
    %add3A_47 = arith.addf %div3A_44, %add3A_46 : vector<2000x1xf32>
    %rsqrt3A_48 = math.rsqrt %add3A_47 : vector<2000x1xf32>
    %mul3A_49 = vector.broadcast %rsqrt3A_48 : vector<2000x1xf32> to vector<2000x128xf32>
    %mul3A_50 = arith.mulf %sub3A_37, %mul3A_49 : vector<2000x128xf32>
    %get3A_51 = arith.constant 0 : index
    %get3A_52 = arith.constant 0 : index
    %get3A_53 = vector.load %arg6[%get3A_51, %get3A_52] : memref<1x128xf32, #tpu.memory_space<vmem>>, vector<1x128xf32>
    %mul3A_54 = vector.broadcast %get3A_53 : vector<1x128xf32> to vector<2000x128xf32>
    %mul3A_55 = arith.mulf %mul3A_50, %mul3A_54 : vector<2000x128xf32>
    %get3A_56 = arith.constant 0 : index
    %get3A_57 = arith.constant 0 : index
    %get3A_58 = vector.load %arg7[%get3A_56, %get3A_57] : memref<1x128xf32, #tpu.memory_space<vmem>>, vector<1x128xf32>
    %add3A_59 = vector.broadcast %get3A_58 : vector<1x128xf32> to vector<2000x128xf32>
    %add3A_60 = arith.addf %mul3A_55, %add3A_59 : vector<2000x128xf32>
    %swap3A = arith.constant 0 : index
    %swap3A_61 = arith.constant 0 : index
    %swap3A_62 = vector.load %arg8[%swap3A, %swap3A_61] : memref<2000x128xf32, #tpu.memory_space<vmem>>, vector<2000x128xf32>
    tpu.vector_store %arg8[%swap3A, %swap3A_61], %add3A_60 {strides = array<i32>} : memref<2000x128xf32, #tpu.memory_space<vmem>>, vector<2000x128xf32>,
    return
  }
  func.func @transform_0(%arg0: i32) -> (i32, i32, i32) {
    %c0_i32 = arith.constant 0 : i32
    %c0_i32_0 = arith.constant 0 : i32
    %c0_i32_1 = arith.constant 0 : i32
    return %c0_i32, %arg0, %c0_i32_0 : i32, i32, i32
  }
  func.func @transform_1(%arg0: i32) -> (i32, i32) {
    %c0_i32 = arith.constant 0 : i32
    %c0_i32_0 = arith.constant 0 : i32
    return %arg0, %c0_i32 : i32, i32
  }
  func.func @transform_2(%arg0: i32) -> (i32, i32) {
    %c0_i32 = arith.constant 0 : i32
    %c0_i32_0 = arith.constant 0 : i32
    return %arg0, %c0_i32 : i32, i32
  }
  func.func @transform_3(%arg0: i32) -> (i32, i32) {
    %c0_i32 = arith.constant 0 : i32
    %c0_i32_0 = arith.constant 0 : i32
    return %arg0, %c0_i32 : i32, i32
  }
  func.func @transform_4(%arg0: i32) -> (i32, i32) {
    %c0_i32 = arith.constant 0 : i32
    %c0_i32_0 = arith.constant 0 : i32
    %c0_i32_1 = arith.constant 0 : i32
    return %c0_i32, %c0_i32_0 : i32, i32
  }
  func.func @transform_5(%arg0: i32) -> (i32, i32) {
    %c0_i32 = arith.constant 0 : i32
    %c0_i32_0 = arith.constant 0 : i32
    %c0_i32_1 = arith.constant 0 : i32
    return %c0_i32, %c0_i32_0 : i32, i32
  }
  func.func @transform_6(%arg0: i32) -> (i32, i32) {
    %c0_i32 = arith.constant 0 : i32
    %c0_i32_0 = arith.constant 0 : i32
    %c0_i32_1 = arith.constant 0 : i32
    return %c0_i32, %c0_i32_0 : i32, i32
  }
  func.func @transform_7(%arg0: i32) -> (i32, i32) {
    %c0_i32 = arith.constant 0 : i32
    %c0_i32_0 = arith.constant 0 : i32
    return %arg0, %c0_i32 : i32, i32
  }
}

</mosaic_0001>

<sc_bundles>
// kernel: kernel.6.cloned.1.call-start
scs
__scs_entry_jumppad:
0x0: {  	(pc) =	sbr.rel $0x88, $3  }
0x1: {  	(tag) =	ssettag $0x0;
	lr =	simm.s32 $0x1  }
0x2: {  	[smem:$0x3F9B] =	sst lr;
	_ =	strace $0xD0000000  }
0x3: {  	_ = 	snop  }
0x4: {  	_ = 	snop  }
0x5: {  	_ = 	snop  }
0x6: {  	_ = 	snop  }
0x7: {  	_ = 	snop  }
__scs_overlays_trampoline_lowered:
0x8: {  	[smem:$0x3FAA] =	sst s0  }
0x9: {  	[smem:$0x3FAB] =	sst s1  }
0xa: {  	[smem:$0x3FAC] =	sst s2  }
0xb: {  	[smem:$0x3FAD] =	sst s3  }
0xc: {  	[smem:$0x3FAE] =	sst s4  }
0xd: {  	[smem:$0x3FAF] =	sst s5  }
0xe: {  	[smem:$0x3FB0] =	sst s6  }
0xf: {  	[smem:$0x3FB1] =	sst s7  }
0x10: {  	[smem:$0x3FB2] =	sst s8  }
0x11: {  	[smem:$0x3FB3] =	sst s9;
	s0 =	simm.s32 @!p0 $0x0  }
0x12: {  	s1 =	sld [smem:$0x3F99];
	s0 =	simm.s32 @p0 $0x1  }
0x13: {  	[smem:$0x3FB4] =	sst s0;
	s0 =	simm.s32 @!p1 $0x0  }
0x14: {  	s2 =	sld [smem:$0x3F98];
	s0 =	simm.s32 @p1 $0x1  }
0x15: {  	[smem:$0x3FB5] =	sst s0;
	s0 =	simm.s32 @!p2 $0x0  }
0x16: {  	s3 =	sld [smem:$0x3FDB];
	s0 =	simm.s32 @p2 $0x1  }
0x17: {  	s4 =	simm.s32 $0x1BF5;
	[smem:$0x3FB7] =	sst s0  }
0x18: {  	s0 =	sld [smem:$0x3F9A];
	_ =	swait.ge [sflag:s4], $0x0  }
0x19: {  	s7 =	sld [smem:$0x3F9B]  }
0x1a: {  	s8 =	sadd.s32 $0xFFFFE003, lr  }
0x1b: {  	s9 =	sadd.s32 $0xFFFFFEF7, lr;
	s5 =	simm.s32 $0xFFFFFFFF;
	p2 =	slt.u32 s8, $0xFFFFF086  }
0x1c: {  	p1 =	slt.u32 s9, $0xF7A;
	s5 =	simm.s32 @!p2 $0x0  }
0x1d: {  	s5 =	simm.s32 @p1 $0x1;
	p0 =	seq.s32 s7, s2  }
0x1e: {  	s7 =	smul.u32 @!p0 $0xF7A, s2;
	p2 =	seq.s32 @!p0 s5, $0x0  }
0x1f: {  	s9 =	smul.u32 $0xF7A, s1;
	s8 =	simm.s32 @!p0 $0x1BF5;
	p2 =	por !p2, p0  }
0x20: {  	[sflag:s8] =	ssyncset.s32 @!p0 $0xFFFFF086;
	s6 =	sadd.s32 @!p0 s3, s7;
	s7 =	simm.s32 @!p0 $0x108  }
0x21: {  	s3 =	sadd.s32 s3, s9;
	s6 =	sadd.s32 @!p0 $0x88, s6;
	s7 =	simm.s32 @p2 $0x1082  }
0x22: {  	[simem:s7], [sflag:s8] =	dma.local @!p0 [hbm:s6], $0xF7A  }
0x23: {  	s9 =	sor.u32 $0xD0000000, s2;
	s6 =	simm.s32 $0x108;
	_ =	swait.ge @!p0 [sflag:s8], $0x0  }
0x24: {  	s3 =	sadd.s32 $0x88, s3;
	s6 =	simm.s32 @!p1 $0x1082;
	[sflag:s4] =	ssyncset.s32 $0xFFFFF086  }
0x25: {  	[simem:s6], [sflag:s4] =	dma.local [hbm:s3], $0xF7A  }
0x26: {  	[smem:$0x3F9B] =	sst s1;
	(tag) =	ssettag s2;
	_ =	strace s9  }
0x27: {  	s1 =	sld [smem:$0x3FAB]  }
0x28: {  	s2 =	sld [smem:$0x3FAC]  }
0x29: {  	s4 =	sld [smem:$0x3FAE]  }
0x2a: {  	p0 =	seq.s32 s5, $0x0;
	s5 =	sld [smem:$0x3FAF]  }
0x2b: {  	s6 =	sld [smem:$0x3FB0]  }
0x2c: {  	s7 =	sld [smem:$0x3FB1]  }
0x2d: {  	s3 =	simm.s32 $0x108;
	s8 =	sld [smem:$0x3FB2]  }
0x2e: {  	s3 =	simm.s32 @!p0 $0x1082;
	s9 =	sld [smem:$0x3FB3]  }
0x2f: {  	lr =	sadd.s32 s0, s3;
	s0 =	sld [smem:$0x3FAA]  }
0x30: {  	s3 =	sld [smem:$0x3FAD]  }
0x31: {  	[smem:$0x3FB6] =	sst s10  }
0x32: {  	s10 =	sld [smem:$0x3FB4];
	_ =	sdelay $0x3  }
0x33: {  	p0 =	seq.s32 s10, $0x1;
	s10 =	sld [smem:$0x3FB6];
	_ =	sdelay $0x3  }
0x34: {  	[smem:$0x3FB6] =	sst s10  }
0x35: {  	s10 =	sld [smem:$0x3FB5];
	_ =	sdelay $0x3  }
0x36: {  	p1 =	seq.s32 s10, $0x1;
	s10 =	sld [smem:$0x3FB6];
	_ =	sdelay $0x3  }
0x37: {  	[smem:$0x3FB6] =	sst s10  }
0x38: {  	s10 =	sld [smem:$0x3FB7]  }
0x39: {  	_ = 	snop;
	(pc) =	sbr.ind lr, $3  }
0x3a: {  	_ = 	snop  }
0x3b: {  	_ = 	snop  }
0x3c: {  	p2 =	seq.s32 s10, $0x1;
	s10 =	sld [smem:$0x3FB6]  }
0x3d: {  	_ =	shalt  }
0x3e: {  	_ =	shalt  }
0x3f: {  	_ =	shalt  }
0x40: {  	_ =	shalt  }
0x41: {  	_ =	shalt  }
0x42: {  	_ =	shalt  }
0x43: {  	_ =	shalt  }
0x44: {  	_ =	shalt  }
0x45: {  	_ =	shalt  }
0x46: {  	_ =	shalt  }
0x47: {  	_ =	shalt  }
0x48: {  	_ =	shalt  }
0x49: {  	_ =	shalt  }
0x4a: {  	_ =	shalt  }
0x4b: {  	_ =	shalt  }
0x4c: {  	_ =	shalt  }
0x4d: {  	_ =	shalt  }
0x4e: {  	_ =	shalt  }
0x4f: {  	_ =	shalt  }
0x50: {  	_ =	shalt  }
0x51: {  	_ =	shalt  }
0x52: {  	_ =	shalt  }
0x53: {  	_ =	shalt  }
0x54: {  	_ =	shalt  }
0x55: {  	_ =	shalt  }
0x56: {  	_ =	shalt  }
0x57: {  	_ =	shalt  }
0x58: {  	_ =	shalt  }
0x59: {  	_ =	shalt  }
0x5a: {  	_ =	shalt  }
0x5b: {  	_ =	shalt  }
0x5c: {  	_ =	shalt  }
0x5d: {  	_ =	shalt  }
0x5e: {  	_ =	shalt  }
0x5f: {  	_ =	shalt  }
0x60: {  	_ =	shalt  }
0x61: {  	_ =	shalt  }
0x62: {  	_ =	shalt  }
0x63: {  	_ =	shalt  }
0x64: {  	_ =	shalt  }
0x65: {  	_ =	shalt  }
0x66: {  	_ =	shalt  }
0x67: {  	_ =	shalt  }
0x68: {  	_ =	shalt  }
0x69: {  	_ =	shalt  }
0x6a: {  	_ =	shalt  }
0x6b: {  	_ =	shalt  }
0x6c: {  	_ =	shalt  }
0x6d: {  	_ =	shalt  }
0x6e: {  	_ =	shalt  }
0x6f: {  	_ =	shalt  }
0x70: {  	_ =	shalt  }
0x71: {  	_ =	shalt  }
0x72: {  	_ =	shalt  }
0x73: {  	_ =	shalt  }
0x74: {  	_ =	shalt  }
0x75: {  	_ =	shalt  }
0x76: {  	_ =	shalt  }
0x77: {  	_ =	shalt  }
0x78: {  	_ =	shalt  }
0x79: {  	_ =	shalt  }
0x7a: {  	_ =	shalt  }
0x7b: {  	_ =	shalt  }
0x7c: {  	_ =	shalt  }
0x7d: {  	_ =	shalt  }
0x7e: {  	_ =	shalt  }
0x7f: {  	_ =	shalt  }
0x80: {  	_ =	shalt  }
0x81: {  	_ =	shalt  }
0x82: {  	_ =	shalt  }
0x83: {  	_ =	shalt  }
0x84: {  	_ =	shalt  }
0x85: {  	_ =	shalt  }
0x86: {  	_ =	shalt  }
0x87: {  	_ =	shalt  }
.Lfunc_end0:
.L_simem_size_0:
called_computation_lowered:
.L_overlay_start_0:
0x88: {  	s2 =	sld [smem:$0x3FD9]  }
0x89: {  	s3 =	sld [smem:$0x3FFE];
	_ =	sdelay $0x1  }
0x8a: {  	s1 =	srdreg.scid  }
0x8b: {  	s0 =	sand.u32 $0x1, s1  }
0x8c: {  	s17 =	sshll.u32 s0, $0xA;
	s2 =	sadd.s32 s3, s2  }
0x8d: {  	s2 =	sadd.s32 s2, s17  }
0x8e: {  	[smem:$0x3FC2] =	sst s2  }
0x8f: {  	_ = 	snop  }
0x90: {  	s2 =	sld [smem:$0x3FD0];
	(tm) =	ssettm $0x1  }
0x91: {  	s18 =	sld [smem:$0x3FFB];
	_ =	sdelay $0x3  }
0x92: {  	_ =	strace s18  }
0x93: {  	s3 =	sld [smem:$0x3FFC];
	_ =	sdelay $0x3  }
0x94: {  	_ =	strace s3  }
0x95: {  	s3 =	sld [smem:$0x3FFD];
	_ =	sdelay $0x3  }
0x96: {  	_ =	strace s3  }
0x97: {  	_ =	strace $0x8FFFFFFF  }
0x98: {  	s19 =	sld [smem:$0x3FDB];
	_ =	sdelay $0x1  }
0x99: {  	s4 =	simm.s32 $_scs_section_size  }
0x9a: {  	s5 =	simm.s32 $_size__tile_overlayer_lowered;
	s6 =	simm.s32 $_tile_overlayer_lowered  }
0x9b: {  	s22 =	simm.s32 $0x1BFF;
	s21 =	sshll.u32 s6, $0x1;
	s3 =	sadd.s32 s4, s19  }
0x9c: {  	s7 =	simm.s32 $0x0;
	s20 =	sshll.u32 s5, $0x1;
	s5 =	sadd.s32 s21, s3  }
0x9d: {  	[timem:s7], [sflag:s22] =	dma.local [hbm:s5], s20  }
0x9e: {  	_ =	swait.ge [sflag:s22], s20  }
0x9f: {  	s4 =	ssub.s32 $0x0, s20;
	[sflag:s22] =	ssyncset.done $0x0  }
0xa0: {  	[sflag:s22] =	ssyncadd.s32 s4;
	_ =	sdelay $0x1  }
0xa1: {  	s23 =	simm.s32 $0x1B8B  }
0xa2: {  	_ =	swait.ge [sflag:s23], $0x1  }
0xa3: {  	[sflag:s23] =	ssyncset.done $0x0  }
0xa4: {  	s25 =	simm.s32 $0x1B8E;
	s24 =	sld [smem:$0x3FFE];
	[sflag:s23] =	ssyncadd.s32 $0xFFFFFFFF  }
0xa5: {  	s26 =	simm.s32 $execute0_lowered;
	[smem:$0x3FD2] =	sst s25  }
0xa6: {  	s5 =	sshll.u32 s26, $0x1;
	_ =	strace $0x80000046;
	[dreg:$0x1] =	wrdreg $0xFFFFFFFF  }
0xa7: {  	s28 =	simm.s32 $_size_execute0_lowered;
	s3 =	sadd.s32 s3, s5;
	[dreg:$0x0] =	wrdreg $0x0  }
0xa8: {  	s5 =	sshll.u32 s28, $0x1;
	[dreg:$0x2] =	wrdreg s3  }
0xa9: {  	[dreg:$0x3] =	wrdreg s5  }
0xaa: {  	[dreg:$0x4] =	wrdreg $0xC0  }
0xab: {  	_ =	task [dreg:s7], $0x5FFFF  }
0xac: {  	[dreg:$0x1] =	wrdreg $0xFFFFFFFF  }
0xad: {  	[dreg:$0x0] =	wrdreg $0x60  }
0xae: {  	[dreg:$0x2] =	wrdreg s24  }
0xaf: {  	[dreg:$0x3] =	wrdreg s2  }
0xb0: {  	[dreg:$0x4] =	wrdreg $0x9  }
0xb1: {  	_ =	task.clear_ibuf [dreg:s7], $0x5FFFF;
	_ =	strace $0x90000046  }
0xb2: {  	s29 =	simm.s32 $0x9;
	_ =	strace $0x80000048  }
0xb3: {  	_ =	swait.ge [sflag:s29], $0x1  }
0xb4: {  	[sflag:s29] =	ssyncadd.s32 $0xFFFFFFFF  }
0xb5: {  	_ =	strace $0x90000048  }
0xb6: {  	_ =	sfence  }
0xb7: {  	s30 =	sld [smem:$0x0];
	_ =	sdelay $0x2  }
0xb8: {  	s31 =	sshll.u32 s1, $0xD;
	s1 =	sshrl.u32 s1, $0x2  }
0xb9: {  	s3 =	sand.u32 $0x4000, s31;
	s1 =	sadd.s32 s1, s30  }
0xba: {  	s0 =	sor.u32 s3, s0;
	s1 =	sshll.u32 s1, $0x11  }
0xbb: {  	s0 =	sor.u32 s1, s0  }
0xbc: {  	s0 =	sadd.s32 $0x8F2B, s0  }
0xbd: {  	[sflag:s0] =	ssyncadd.remote.s32 $0x1  }
0xbe: {  	_ =	sfence.sel $0xFFFF  }
0xbf: {  	[dreg:$0x0] =	wrdreg $0xFFFFFFFF;
	(pc) =	sbr.abs _section_cstart, $3  }
0xc0: {  	[dreg:$0x1] =	wrdreg $0xFFFFFFFF  }
0xc1: {  	_ =	task.clear_ibuf [dreg:s7], $0x2FFFF;
	_ =	strace $0x9FFFFFFF  }
0xc2: {  	(tm) =	ssettm $0x7FFFFFFF  }
0xc3: {  	_ =	shalt  }
tec
execute0_lowered:
.L_overlay_start_1:
0x0: {  	(tag) =	ssettag $0x1  }
0x1: {  	s0 =	srdreg.scid  }
0x2: {  	s4 =	rddreg [dreg:$0x0];
	s3 =	sand.u32 $0x1, s0  }
0x3: {  	s5 =	rddreg [dreg:$0x1];
	s0 =	stileid.u32;
	s1 =	sshll.u32 s3, $0x4  }
0x4: {  	s2 =	simm.s32 $0x0;
	s9 =	simm.s32 $0x400;
	s6 =	sor.u32 s0, s1  }
0x5: {  	s10 =	simm.s32 $0x0;
	[smem:$0x7FF] =	sst s2;
	s7 =	sshrl.u32 s6, $0x3  }
0x6: {  	s8 =	sshll.u32 s0, $0x7;
	s3 =	ssub.s32 $0x2, s3;
	s7 =	smul.u32 $0x13C00, s7  }
0x7: {  	s1 =	rddreg [dreg:$0x2];
	s8 =	sand.u32 $0x380, s8;
	s6 =	smul.u32 $0x4E2, s6  }
0x8: {  	_ =	strace $0x80000047;
	s31 =	sshrl.u32 s3, $0x1;
	s7 =	sor.u32 s8, s7  }
0x9: {  	s4 =	sadd.s32 s6, s4;
	s6 =	ssub.s32 s3, s31;
	s7 =	sshrl.u32 s7, $0x3  }
0xa: {  	s3 =	sadd.s32 $0x1C00, s4;
	s8 =	simm.s32 $0x80;
	s4 =	sadd.s32 s5, s7  }
0xb: {  	v0 =	vimm.s32 $0x0;
	v1 =	vimm.s32 $0x1;
	s5 =	smax.u32 s6, $0x1;
	s6 =	simm.s32 $0x1;
	s7 =	simm.s32 $0x2780  }
.LBB2_1:
0xc: {  	[tilespmem:s2], [sflag:$0x1] =	stream.linear.gather [hbm4b:s3+s2], $0x2710, $0x38;
	[tilespmem:$0x4F00] =	vst v63  }
0xd: {  	_ =	swait.ge [sflag:s6], $0x2710  }
0xe: {  	[sflag:s6] =	ssyncset.done $0x0  }
0xf: {  	s11 =	simm.s32 $0x0;
	[sflag:s6] =	ssyncadd.s32 $0xFFFFD8F0  }
.LBB2_2:
0x10: {  	p0 =	sne.s32 s11, $0x9C00  }
.Ltmp0:
0x11: {  	_ = 	snop;
	(pc) =	sbr.rel @p0 .LBB2_2-.Ltmp0, $3  }
0x12: {  	_ =	sdelay $0x1  }
0x13: {  	s12 =	sshra.s32 s11, $0x2  }
0x14: {  	s11 =	sadd.s32 $0x40, s11;
	[tilespmem:s12+$0x2780] =	vst v0  }
0x15: {  	s12 =	simm.s32 $0x0;
	s11 =	simm.s32 $0x40  }
.LBB2_4:
0x16: {  	p0 =	sne.s32 s11, $0x9C00;
	v2 =	vld [tilespmem:s12+$0x0];
	_ =	sdelay $0x3  }
.Ltmp1:
0x17: {  	(pc) =	sbr.rel @p0 .LBB2_4-.Ltmp1, $2  }
0x18: {  	_ =	sdelay $0x2  }
0x19: {  	s12 =	sshra.s32 s11, $0x2;
	s11 =	sadd.s32 $0x40, s11;
	[tilespmem:v2+s7+$0x0] =	vst.idx.add.s32.msk $0xffff, v1  }
0x1a: {  	v2 =	vld [tilespmem:s12+$0x0];
	_ =	sdelay $0x5  }
0x1b: {  	s10 =	sadd.s32 $0x1, s10  }
0x1c: {  	p0 =	sne.s32 s10, s5  }
.Ltmp2:
0x1d: {  	[tilespmem:v2+s7+$0x0] =	vst.idx.add.s32.msk $0xffff, v1;
	(pc) =	sbr.rel @p0 .LBB2_1-.Ltmp2, $4  }
0x1e: {  	[hbm4b:s4+s8] =	stream.strided.scatter [tilespmem:s7], [sflag:$0x1], $0x2780, s9, s8, $0x38;
	[tilespmem:$0x4F00] =	vst v63  }
0x1f: {  	_ =	swait.ge [sflag:s6], $0x2780  }
0x20: {  	[sflag:s6] =	ssyncset.done $0x0  }
0x21: {  	[sflag:s6] =	ssyncadd.s32 $0xFFFFD880  }
0x22: {  	_ =	sfence.sel $0x180000  }
0x23: {  	[bflag:$0x0] =	sbarrier.arrive $0xFFFF  }
0x24: {  	p0 =	sne.s32 s0, $0x0;
	_ =	strace $0x90000047  }
0x25: {  	s0 =	sadd.s32 @!p0 $0x100000, s1;
	[bflag:$0x2] =	sbarrier.arrive $0xFFFF  }
0x26: {  	[sflag:s0] =	ssyncadd.tile.s32 @!p0 $0x1;
	_ =	shalt  }
.Lfunc_end2:
_tile_overlayer_lowered:
.L_overlay_start_2:
0x27: {  	(tag) =	ssettag $0x2  }
0x28: {  	s0 =	rddreg [dreg:$0x0];
	s2 =	stileid.u32  }
0x29: {  	s1 =	rddreg [dreg:$0x1];
	p0 =	sne.s32 s2, $0x0  }
0x2a: {  	s3 =	rddreg [dreg:$0x2];
	[bflag:$0x3] =	sbarrier.arrive $0xFFFF;
	s2 =	simm.s32 @!p0 $0x1C01  }
0x2b: {  	[timem:s3], [sflag:s2] =	dma.local @!p0 [hbm:s0], s1  }
0x2c: {  	s0 =	simm.s32 @!p0 $0x1  }
0x2d: {  	_ =	swait.ge @!p0 [sflag:s0], s1  }
0x2e: {  	s1 =	ssub.s32 @!p0 $0x0, s1;
	[sflag:s0] =	ssyncset.done @!p0 $0x0  }
0x2f: {  	[sflag:s0] =	ssyncadd.s32 @!p0 s1  }
0x30: {  	[bflag:$0x3] =	sbarrier.arrive $0xFFFF  }
0x31: {  	_ =	shalt  }

// kernel: kernel.9.cloned.1.call-start
scs
__scs_entry_jumppad:
0x0: {  	(pc) =	sbr.rel $0x88, $3  }
0x1: {  	(tag) =	ssettag $0x0;
	lr =	simm.s32 $0x1  }
0x2: {  	[smem:$0x3F9B] =	sst lr;
	_ =	strace $0xD0000000  }
0x3: {  	_ = 	snop  }
0x4: {  	_ = 	snop  }
0x5: {  	_ = 	snop  }
0x6: {  	_ = 	snop  }
0x7: {  	_ = 	snop  }
__scs_overlays_trampoline_lowered:
0x8: {  	[smem:$0x3FAA] =	sst s0  }
0x9: {  	[smem:$0x3FAB] =	sst s1  }
0xa: {  	[smem:$0x3FAC] =	sst s2  }
0xb: {  	[smem:$0x3FAD] =	sst s3  }
0xc: {  	[smem:$0x3FAE] =	sst s4  }
0xd: {  	[smem:$0x3FAF] =	sst s5  }
0xe: {  	[smem:$0x3FB0] =	sst s6  }
0xf: {  	[smem:$0x3FB1] =	sst s7  }
0x10: {  	[smem:$0x3FB2] =	sst s8  }
0x11: {  	[smem:$0x3FB3] =	sst s9;
	s0 =	simm.s32 @!p0 $0x0  }
0x12: {  	s1 =	sld [smem:$0x3F99];
	s0 =	simm.s32 @p0 $0x1  }
0x13: {  	[smem:$0x3FB4] =	sst s0;
	s0 =	simm.s32 @!p1 $0x0  }
0x14: {  	s2 =	sld [smem:$0x3F98];
	s0 =	simm.s32 @p1 $0x1  }
0x15: {  	[smem:$0x3FB5] =	sst s0;
	s0 =	simm.s32 @!p2 $0x0  }
0x16: {  	s3 =	sld [smem:$0x3FDB];
	s0 =	simm.s32 @p2 $0x1  }
0x17: {  	s4 =	simm.s32 $0x1BF5;
	[smem:$0x3FB7] =	sst s0  }
0x18: {  	s0 =	sld [smem:$0x3F9A];
	_ =	swait.ge [sflag:s4], $0x0  }
0x19: {  	s7 =	sld [smem:$0x3F9B]  }
0x1a: {  	s8 =	sadd.s32 $0xFFFFE003, lr  }
0x1b: {  	s9 =	sadd.s32 $0xFFFFFEF7, lr;
	s5 =	simm.s32 $0xFFFFFFFF;
	p2 =	slt.u32 s8, $0xFFFFF086  }
0x1c: {  	p1 =	slt.u32 s9, $0xF7A;
	s5 =	simm.s32 @!p2 $0x0  }
0x1d: {  	s5 =	simm.s32 @p1 $0x1;
	p0 =	seq.s32 s7, s2  }
0x1e: {  	s7 =	smul.u32 @!p0 $0xF7A, s2;
	p2 =	seq.s32 @!p0 s5, $0x0  }
0x1f: {  	s9 =	smul.u32 $0xF7A, s1;
	s8 =	simm.s32 @!p0 $0x1BF5;
	p2 =	por !p2, p0  }
0x20: {  	[sflag:s8] =	ssyncset.s32 @!p0 $0xFFFFF086;
	s6 =	sadd.s32 @!p0 s3, s7;
	s7 =	simm.s32 @!p0 $0x108  }
0x21: {  	s3 =	sadd.s32 s3, s9;
	s6 =	sadd.s32 @!p0 $0x88, s6;
	s7 =	simm.s32 @p2 $0x1082  }
0x22: {  	[simem:s7], [sflag:s8] =	dma.local @!p0 [hbm:s6], $0xF7A  }
0x23: {  	s9 =	sor.u32 $0xD0000000, s2;
	s6 =	simm.s32 $0x108;
	_ =	swait.ge @!p0 [sflag:s8], $0x0  }
0x24: {  	s3 =	sadd.s32 $0x88, s3;
	s6 =	simm.s32 @!p1 $0x1082;
	[sflag:s4] =	ssyncset.s32 $0xFFFFF086  }
0x25: {  	[simem:s6], [sflag:s4] =	dma.local [hbm:s3], $0xF7A  }
0x26: {  	[smem:$0x3F9B] =	sst s1;
	(tag) =	ssettag s2;
	_ =	strace s9  }
0x27: {  	s1 =	sld [smem:$0x3FAB]  }
0x28: {  	s2 =	sld [smem:$0x3FAC]  }
0x29: {  	s4 =	sld [smem:$0x3FAE]  }
0x2a: {  	p0 =	seq.s32 s5, $0x0;
	s5 =	sld [smem:$0x3FAF]  }
0x2b: {  	s6 =	sld [smem:$0x3FB0]  }
0x2c: {  	s7 =	sld [smem:$0x3FB1]  }
0x2d: {  	s3 =	simm.s32 $0x108;
	s8 =	sld [smem:$0x3FB2]  }
0x2e: {  	s3 =	simm.s32 @!p0 $0x1082;
	s9 =	sld [smem:$0x3FB3]  }
0x2f: {  	lr =	sadd.s32 s0, s3;
	s0 =	sld [smem:$0x3FAA]  }
0x30: {  	s3 =	sld [smem:$0x3FAD]  }
0x31: {  	[smem:$0x3FB6] =	sst s10  }
0x32: {  	s10 =	sld [smem:$0x3FB4];
	_ =	sdelay $0x3  }
0x33: {  	p0 =	seq.s32 s10, $0x1;
	s10 =	sld [smem:$0x3FB6];
	_ =	sdelay $0x3  }
0x34: {  	[smem:$0x3FB6] =	sst s10  }
0x35: {  	s10 =	sld [smem:$0x3FB5];
	_ =	sdelay $0x3  }
0x36: {  	p1 =	seq.s32 s10, $0x1;
	s10 =	sld [smem:$0x3FB6];
	_ =	sdelay $0x3  }
0x37: {  	[smem:$0x3FB6] =	sst s10  }
0x38: {  	s10 =	sld [smem:$0x3FB7]  }
0x39: {  	_ = 	snop;
	(pc) =	sbr.ind lr, $3  }
0x3a: {  	_ = 	snop  }
0x3b: {  	_ = 	snop  }
0x3c: {  	p2 =	seq.s32 s10, $0x1;
	s10 =	sld [smem:$0x3FB6]  }
0x3d: {  	_ =	shalt  }
0x3e: {  	_ =	shalt  }
0x3f: {  	_ =	shalt  }
0x40: {  	_ =	shalt  }
0x41: {  	_ =	shalt  }
0x42: {  	_ =	shalt  }
0x43: {  	_ =	shalt  }
0x44: {  	_ =	shalt  }
0x45: {  	_ =	shalt  }
0x46: {  	_ =	shalt  }
0x47: {  	_ =	shalt  }
0x48: {  	_ =	shalt  }
0x49: {  	_ =	shalt  }
0x4a: {  	_ =	shalt  }
0x4b: {  	_ =	shalt  }
0x4c: {  	_ =	shalt  }
0x4d: {  	_ =	shalt  }
0x4e: {  	_ =	shalt  }
0x4f: {  	_ =	shalt  }
0x50: {  	_ =	shalt  }
0x51: {  	_ =	shalt  }
0x52: {  	_ =	shalt  }
0x53: {  	_ =	shalt  }
0x54: {  	_ =	shalt  }
0x55: {  	_ =	shalt  }
0x56: {  	_ =	shalt  }
0x57: {  	_ =	shalt  }
0x58: {  	_ =	shalt  }
0x59: {  	_ =	shalt  }
0x5a: {  	_ =	shalt  }
0x5b: {  	_ =	shalt  }
0x5c: {  	_ =	shalt  }
0x5d: {  	_ =	shalt  }
0x5e: {  	_ =	shalt  }
0x5f: {  	_ =	shalt  }
0x60: {  	_ =	shalt  }
0x61: {  	_ =	shalt  }
0x62: {  	_ =	shalt  }
0x63: {  	_ =	shalt  }
0x64: {  	_ =	shalt  }
0x65: {  	_ =	shalt  }
0x66: {  	_ =	shalt  }
0x67: {  	_ =	shalt  }
0x68: {  	_ =	shalt  }
0x69: {  	_ =	shalt  }
0x6a: {  	_ =	shalt  }
0x6b: {  	_ =	shalt  }
0x6c: {  	_ =	shalt  }
0x6d: {  	_ =	shalt  }
0x6e: {  	_ =	shalt  }
0x6f: {  	_ =	shalt  }
0x70: {  	_ =	shalt  }
0x71: {  	_ =	shalt  }
0x72: {  	_ =	shalt  }
0x73: {  	_ =	shalt  }
0x74: {  	_ =	shalt  }
0x75: {  	_ =	shalt  }
0x76: {  	_ =	shalt  }
0x77: {  	_ =	shalt  }
0x78: {  	_ =	shalt  }
0x79: {  	_ =	shalt  }
0x7a: {  	_ =	shalt  }
0x7b: {  	_ =	shalt  }
0x7c: {  	_ =	shalt  }
0x7d: {  	_ =	shalt  }
0x7e: {  	_ =	shalt  }
0x7f: {  	_ =	shalt  }
0x80: {  	_ =	shalt  }
0x81: {  	_ =	shalt  }
0x82: {  	_ =	shalt  }
0x83: {  	_ =	shalt  }
0x84: {  	_ =	shalt  }
0x85: {  	_ =	shalt  }
0x86: {  	_ =	shalt  }
0x87: {  	_ =	shalt  }
.Lfunc_end0:
.L_simem_size_0:
called_computation.1_lowered:
.L_overlay_start_0:
0x88: {  	s2 =	sld [smem:$0x3FD9]  }
0x89: {  	s3 =	sld [smem:$0x3FFE];
	_ =	sdelay $0x1  }
0x8a: {  	s1 =	srdreg.scid  }
0x8b: {  	s0 =	sand.u32 $0x1, s1  }
0x8c: {  	s17 =	sshll.u32 s0, $0xA;
	s2 =	sadd.s32 s3, s2  }
0x8d: {  	s2 =	sadd.s32 s2, s17  }
0x8e: {  	[smem:$0x3FC2] =	sst s2  }
0x8f: {  	_ = 	snop  }
0x90: {  	s2 =	sld [smem:$0x3FD0];
	(tm) =	ssettm $0x1  }
0x91: {  	s18 =	sld [smem:$0x3FFB];
	_ =	sdelay $0x3  }
0x92: {  	_ =	strace s18  }
0x93: {  	s3 =	sld [smem:$0x3FFC];
	_ =	sdelay $0x3  }
0x94: {  	_ =	strace s3  }
0x95: {  	s3 =	sld [smem:$0x3FFD];
	_ =	sdelay $0x3  }
0x96: {  	_ =	strace s3  }
0x97: {  	_ =	strace $0x8FFFFFFF  }
0x98: {  	s19 =	sld [smem:$0x3FDB];
	_ =	sdelay $0x1  }
0x99: {  	s4 =	simm.s32 $_scs_section_size  }
0x9a: {  	s5 =	simm.s32 $_size__tile_overlayer_lowered;
	s6 =	simm.s32 $_tile_overlayer_lowered  }
0x9b: {  	s22 =	simm.s32 $0x1BFF;
	s21 =	sshll.u32 s6, $0x1;
	s3 =	sadd.s32 s4, s19  }
0x9c: {  	s7 =	simm.s32 $0x0;
	s20 =	sshll.u32 s5, $0x1;
	s5 =	sadd.s32 s21, s3  }
0x9d: {  	[timem:s7], [sflag:s22] =	dma.local [hbm:s5], s20  }
0x9e: {  	_ =	swait.ge [sflag:s22], s20  }
0x9f: {  	s4 =	ssub.s32 $0x0, s20;
	[sflag:s22] =	ssyncset.done $0x0  }
0xa0: {  	[sflag:s22] =	ssyncadd.s32 s4;
	_ =	sdelay $0x1  }
0xa1: {  	s23 =	simm.s32 $0x1B8B  }
0xa2: {  	_ =	swait.ge [sflag:s23], $0x1  }
0xa3: {  	[sflag:s23] =	ssyncset.done $0x0  }
0xa4: {  	s25 =	simm.s32 $0x1B8E;
	s24 =	sld [smem:$0x3FFE];
	[sflag:s23] =	ssyncadd.s32 $0xFFFFFFFF  }
0xa5: {  	s26 =	simm.s32 $execute0_lowered;
	[smem:$0x3FD2] =	sst s25  }
0xa6: {  	s5 =	sshll.u32 s26, $0x1;
	_ =	strace $0x80000049;
	[dreg:$0x1] =	wrdreg $0xFFFFFFFF  }
0xa7: {  	s28 =	simm.s32 $_size_execute0_lowered;
	s3 =	sadd.s32 s3, s5;
	[dreg:$0x0] =	wrdreg $0x0  }
0xa8: {  	s5 =	sshll.u32 s28, $0x1;
	[dreg:$0x2] =	wrdreg s3  }
0xa9: {  	[dreg:$0x3] =	wrdreg s5  }
0xaa: {  	[dreg:$0x4] =	wrdreg $0xC0  }
0xab: {  	_ =	task [dreg:s7], $0x5FFFF  }
0xac: {  	[dreg:$0x1] =	wrdreg $0xFFFFFFFF  }
0xad: {  	[dreg:$0x0] =	wrdreg $0x60  }
0xae: {  	[dreg:$0x2] =	wrdreg s2  }
0xaf: {  	[dreg:$0x3] =	wrdreg s24  }
0xb0: {  	[dreg:$0x4] =	wrdreg $0x0  }
0xb1: {  	[dreg:$0x5] =	wrdreg $0x9  }
0xb2: {  	_ =	task.clear_ibuf [dreg:s7], $0x6FFFF;
	_ =	strace $0x90000049  }
0xb3: {  	s29 =	simm.s32 $0x9;
	_ =	strace $0x8000004B  }
0xb4: {  	_ =	swait.ge [sflag:s29], $0x1  }
0xb5: {  	[sflag:s29] =	ssyncadd.s32 $0xFFFFFFFF  }
0xb6: {  	_ =	strace $0x9000004B  }
0xb7: {  	_ =	sfence  }
0xb8: {  	s30 =	sld [smem:$0x0];
	_ =	sdelay $0x2  }
0xb9: {  	s31 =	sshll.u32 s1, $0xD;
	s1 =	sshrl.u32 s1, $0x2  }
0xba: {  	s3 =	sand.u32 $0x4000, s31;
	s1 =	sadd.s32 s1, s30  }
0xbb: {  	s0 =	sor.u32 s3, s0;
	s1 =	sshll.u32 s1, $0x11  }
0xbc: {  	s0 =	sor.u32 s1, s0  }
0xbd: {  	s0 =	sadd.s32 $0x8F2B, s0  }
0xbe: {  	[sflag:s0] =	ssyncadd.remote.s32 $0x1  }
0xbf: {  	_ =	sfence.sel $0xFFFF  }
0xc0: {  	[dreg:$0x0] =	wrdreg $0xFFFFFFFF;
	(pc) =	sbr.abs _section_cstart, $3  }
0xc1: {  	[dreg:$0x1] =	wrdreg $0xFFFFFFFF  }
0xc2: {  	_ =	task.clear_ibuf [dreg:s7], $0x2FFFF;
	_ =	strace $0x9FFFFFFF  }
0xc3: {  	(tm) =	ssettm $0x7FFFFFFF  }
tec
execute0_lowered:
.L_overlay_start_1:
0x0: {  	(tag) =	ssettag $0x1  }
0x1: {  	s1 =	rddreg [dreg:$0x0]  }
0x2: {  	s0 =	srdreg.scid;
	s4 =	rddreg [dreg:$0x1]  }
0x3: {  	s3 =	rddreg [dreg:$0x2];
	s15 =	simm.s32 $0x0;
	s11 =	simm.s32 $0x80  }
0x4: {  	s14 =	simm.s32 $0x5;
	s16 =	simm.s32 $0x16C80;
	s17 =	simm.s32 $0x17080  }
0x5: {  	s18 =	simm.s32 $0x3;
	s19 =	simm.s32 $0x1B080;
	s20 =	simm.s32 $0x1  }
0x6: {  	s21 =	simm.s32 $0x2;
	s28 =	simm.s32 $0x16B80;
	s29 =	simm.s32 $0x16C00  }
0x7: {  	s30 =	simm.s32 $0x4;
	s31 =	simm.s32 $0x16D00;
	s12 =	simm.s32 $0x16E00  }
0x8: {  	s13 =	simm.s32 $0x16F00;
	s10 =	simm.s32 $0x17000;
	s2 =	sand.u32 $0x1, s0  }
0x9: {  	s0 =	stileid.u32;
	[smem:$0x7FF] =	sst s15;
	s5 =	sshll.u32 s2, $0x4  }
0xa: {  	s7 =	sshll.u32 s0, $0x7;
	_ =	strace $0x8000004A;
	s24 =	smul.u32 $0x27100, s2  }
0xb: {  	s2 =	ssub.s32 $0x2, s2;
	s25 =	sshll.u32 s0, $0xB;
	s26 =	sshll.u32 s0, $0x8  }
0xc: {  	s5 =	sor.u32 s0, s5;
	s7 =	sand.u32 $0x380, s7;
	s8 =	sshrl.u32 s2, $0x1  }
0xd: {  	s25 =	sadd.s32 s25, s3;
	s6 =	sshrl.u32 s5, $0x3;
	s5 =	smul.u32 $0x500, s5  }
0xe: {  	[dreg:$0x8] =	wrdreg s26;
	s26 =	simm.s32 $0x16B00;
	s6 =	smul.u32 $0x14000, s6  }
0xf: {  	s2 =	ssub.s32 s2, s8;
	s8 =	simm.s32 $0x16F80;
	[dreg:$0x7] =	wrdreg s25  }
0x10: {  	s2 =	smax.u32 s2, $0x1;
	s5 =	sadd.s32 s5, s4;
	s6 =	sor.u32 s7, s6  }
0x11: {  	[dreg:$0x6] =	wrdreg s2;
	s5 =	sadd.s32 $0xBA00, s5;
	s6 =	sshrl.u32 s6, $0x3  }
0x12: {  	s2 =	simm.s32 $0x16D80;
	[dreg:$0x5] =	wrdreg s5;
	s6 =	sadd.s32 s6, s4  }
0x13: {  	s5 =	simm.s32 $0x16E80;
	s4 =	sadd.s32 s24, s4;
	s6 =	sadd.s32 $0x15A00, s6  }
0x14: {  	v0 =	vimm.f32 $0.0e+00;
	s7 =	sadd.s32 $0x1FA00, s4;
	[dreg:$0x4] =	wrdreg s6;
	s6 =	simm.s32 $0x0  }
.LBB2_1:
0x15: {  	[dreg:$0x9] =	wrdreg s6;
	s4 =	simm.s32 $0x0;
	s6 =	simm.s32 $0x0  }
.LBB2_2:
0x16: {  	p0 =	sne.s32 s6, $0xFFC0  }
.Ltmp0:
0x17: {  	_ = 	snop;
	(pc) =	sbr.rel @p0 .LBB2_2-.Ltmp0, $4  }
0x18: {  	s9 =	sand.u32 $0xFE00, s6  }
0x19: {  	s22 =	sand.u32 $0x70, s4;
	s9 =	sshrl.u32 s9, $0x2  }
0x1a: {  	s9 =	sor.u32 s22, s9  }
0x1b: {  	s4 =	sadd.s32 $0x10, s4;
	s6 =	sadd.s32 $0x40, s6;
	[tilespmem:s9+$0x17080] =	vst v0  }
0x1c: {  	s4 =	sadd.s32 $0x0, s0  }
0x1d: {  	p0 =	sgt.u32 s4, $0x270  }
0x1e: {  	s4 =	simm.s32 @!p0 $0x17080;
	s22 =	simm.s32 @!p0 $0x5  }
0x1f: {  	[spmem:s25] =	stream.linear.scatter @!p0 [tilespmem:s4], [sflag:$0x5], $0x800, $0x38;
	[tilespmem:$0x1F080] =	vst v63  }
0x20: {  	s6 =	simm.s32 $0x10;
	_ =	swait.ge @!p0 [sflag:s22], $0x800  }
0x21: {  	s9 =	simm.s32 $0x20;
	s4 =	sadd.s32 $0x8000, s25;
	[sflag:s22] =	ssyncset.done @!p0 $0x0  }
.LBB2_4:
0x22: {  	s23 =	sadd.s32 s6, s0;
	s6 =	smov.u32 s9;
	s9 =	sadd.s32 $0x10, s9  }
0x23: {  	[sflag:s22] =	ssyncadd.s32 @!p0 $0xFFFFF800;
	p1 =	sne.s32 s9, $0x280  }
.Ltmp1:
0x24: {  	p0 =	sgt.u32 s23, $0x270;
	(pc) =	sbr.rel @p1 .LBB2_4-.Ltmp1, $4  }
0x25: {  	s23 =	simm.s32 @!p0 $0x17080;
	s22 =	simm.s32 @!p0 $0x5  }
0x26: {  	[spmem:s4] =	stream.linear.scatter @!p0 [tilespmem:s23], [sflag:$0x5], $0x800, $0x38;
	[tilespmem:$0x1F080] =	vst v63  }
0x27: {  	_ =	swait.ge @!p0 [sflag:s22], $0x800  }
0x28: {  	s4 =	sadd.s32 $0x8000, s4;
	[sflag:s22] =	ssyncset.done @!p0 $0x0  }
0x29: {  	s6 =	sadd.s32 s6, s0  }
0x2a: {  	p1 =	sgt.u32 s6, $0x270  }
0x2b: {  	[sflag:s22] =	ssyncadd.s32 @!p0 $0xFFFFF800;
	s6 =	simm.s32 @!p1 $0x17080;
	s9 =	simm.s32 @!p1 $0x5  }
0x2c: {  	[spmem:s4] =	stream.linear.scatter @!p1 [tilespmem:s6], [sflag:$0x5], $0x800, $0x38;
	[tilespmem:$0x1F080] =	vst v63  }
0x2d: {  	_ =	swait.ge @!p1 [sflag:s9], $0x800  }
0x2e: {  	[sflag:s9] =	ssyncset.done @!p1 $0x0  }
0x2f: {  	[sflag:s9] =	ssyncadd.s32 @!p1 $0xFFFFF800  }
0x30: {  	[bflag:$0x0] =	sbarrier.arrive $0xFFFF  }
0x31: {  	s22 =	simm.s32 $0x14080;
	s9 =	simm.s32 $0x400;
	s6 =	rddreg [dreg:$0x4]  }
0x32: {  	[tilespmem:s22], [sflag:$0x5] =	stream.strided.gather [hbm4b:s6+s11], $0x2800, s9, s11, $0x38;
	[tilespmem:$0x1F080] =	vst v63  }
0x33: {  	_ =	swait.ge [sflag:s14], $0x2800  }
0x34: {  	s23 =	simm.s32 $0x16880;
	[sflag:s14] =	ssyncset.done $0x0  }
0x35: {  	s9 =	simm.s32 $0x0;
	s6 =	rddreg [dreg:$0x5];
	[sflag:s14] =	ssyncadd.s32 $0xFFFFD800  }
0x36: {  	[tilespmem:s23], [sflag:$0x3] =	stream.linear.gather [hbm4b:s6+s9], $0x400, $0x38;
	[tilespmem:$0x1F080] =	vst v63  }
0x37: {  	s24 =	sadd.s32 $0x80, s6  }
0x38: {  	[tilespmem:s16], [sflag:$0x4] =	stream.linear.gather [hbm4b:s24+s9], $0x400, $0x38;
	[tilespmem:$0x1F080] =	vst v63  }
0x39: {  	s6 =	sadd.s32 $0x180, s6  }
0x3a: {  	[tilespmem:s17], [sflag:$0x1] =	stream.indirect.gather [hbm4b:s1+s11], $0x80, s22, s11, $0xb8;
	[tilespmem:$0x1F080] =	vst v63  }
.LBB2_6:
0x3b: {  	_ =	swait.ge [sflag:s18], $0x400  }
0x3c: {  	s4 =	sshra.s32 s9, $0x2;
	[sflag:s18] =	ssyncset.done $0x0  }
0x3d: {  	s22 =	sadd.s32 $0x14100, s4;
	[sflag:s18] =	ssyncadd.s32 $0xFFFFFC00  }
0x3e: {  	[tilespmem:s19], [sflag:$0x2] =	stream.indirect.gather [hbm4b:s1+s11], $0x80, s22, s11, $0xb8;
	[tilespmem:$0x1F080] =	vst v63  }
0x3f: {  	_ =	swait.ge [sflag:s20], $0x4000  }
0x40: {  	[sflag:s20] =	ssyncset.done $0x0  }
0x41: {  	s24 =	simm.s32 $0x16880;
	[sflag:s20] =	ssyncadd.s32 $0xFFFFC000  }
0x42: {  	[spmem:s3] =	stream.indirect.scatter.add.f32 [tilespmem:s17], [sflag:$0x5], $0x80, s24, s11, $0xb8;
	[tilespmem:$0x1F080] =	vst v63  }
0x43: {  	_ =	swait.ge [sflag:s14], $0x4000  }
0x44: {  	[sflag:s14] =	ssyncset.done $0x0  }
0x45: {  	s23 =	sadd.s32 $0x14180, s4;
	[sflag:s14] =	ssyncadd.s32 $0xFFFFC000  }
0x46: {  	[tilespmem:s17], [sflag:$0x1] =	stream.indirect.gather [hbm4b:s1+s11], $0x80, s23, s11, $0xb8;
	[tilespmem:$0x1F080] =	vst v63  }
0x47: {  	_ =	swait.ge [sflag:s21], $0x4000  }
0x48: {  	[sflag:s21] =	ssyncset.done $0x0  }
0x49: {  	s24 =	simm.s32 $0x16900;
	[sflag:s21] =	ssyncadd.s32 $0xFFFFC000  }
0x4a: {  	[spmem:s3] =	stream.indirect.scatter.add.f32 [tilespmem:s19], [sflag:$0x5], $0x80, s24, s11, $0xb8;
	[tilespmem:$0x1F080] =	vst v63  }
0x4b: {  	_ =	swait.ge [sflag:s14], $0x4000  }
0x4c: {  	[sflag:s14] =	ssyncset.done $0x0  }
0x4d: {  	s23 =	sadd.s32 $0x14200, s4;
	[sflag:s14] =	ssyncadd.s32 $0xFFFFC000  }
0x4e: {  	[tilespmem:s19], [sflag:$0x2] =	stream.indirect.gather [hbm4b:s1+s11], $0x80, s23, s11, $0xb8;
	[tilespmem:$0x1F080] =	vst v63  }
0x4f: {  	_ =	swait.ge [sflag:s20], $0x4000  }
0x50: {  	[sflag:s20] =	ssyncset.done $0x0  }
0x51: {  	s24 =	simm.s32 $0x16980;
	[sflag:s20] =	ssyncadd.s32 $0xFFFFC000  }
0x52: {  	[spmem:s3] =	stream.indirect.scatter.add.f32 [tilespmem:s17], [sflag:$0x5], $0x80, s24, s11, $0xb8;
	[tilespmem:$0x1F080] =	vst v63  }
0x53: {  	_ =	swait.ge [sflag:s14], $0x4000  }
0x54: {  	[sflag:s14] =	ssyncset.done $0x0  }
0x55: {  	s23 =	sadd.s32 $0x14280, s4;
	[sflag:s14] =	ssyncadd.s32 $0xFFFFC000  }
0x56: {  	[tilespmem:s17], [sflag:$0x1] =	stream.indirect.gather [hbm4b:s1+s11], $0x80, s23, s11, $0xb8;
	[tilespmem:$0x1F080] =	vst v63  }
0x57: {  	_ =	swait.ge [sflag:s21], $0x4000  }
0x58: {  	[sflag:s21] =	ssyncset.done $0x0  }
0x59: {  	s24 =	simm.s32 $0x16A00;
	[sflag:s21] =	ssyncadd.s32 $0xFFFFC000  }
0x5a: {  	[spmem:s3] =	stream.indirect.scatter.add.f32 [tilespmem:s19], [sflag:$0x5], $0x80, s24, s11, $0xb8;
	[tilespmem:$0x1F080] =	vst v63  }
0x5b: {  	_ =	swait.ge [sflag:s14], $0x4000  }
0x5c: {  	[sflag:s14] =	ssyncset.done $0x0  }
0x5d: {  	s23 =	sadd.s32 $0x14300, s4;
	[sflag:s14] =	ssyncadd.s32 $0xFFFFC000  }
0x5e: {  	[tilespmem:s19], [sflag:$0x2] =	stream.indirect.gather [hbm4b:s1+s11], $0x80, s23, s11, $0xb8;
	[tilespmem:$0x1F080] =	vst v63  }
0x5f: {  	_ =	swait.ge [sflag:s20], $0x4000  }
0x60: {  	[sflag:s20] =	ssyncset.done $0x0  }
0x61: {  	s24 =	simm.s32 $0x16A80;
	[sflag:s20] =	ssyncadd.s32 $0xFFFFC000  }
0x62: {  	[spmem:s3] =	stream.indirect.scatter.add.f32 [tilespmem:s17], [sflag:$0x5], $0x80, s24, s11, $0xb8;
	[tilespmem:$0x1F080] =	vst v63  }
0x63: {  	_ =	swait.ge [sflag:s14], $0x4000  }
0x64: {  	[sflag:s14] =	ssyncset.done $0x0  }
0x65: {  	s23 =	sadd.s32 $0x14380, s4;
	[sflag:s14] =	ssyncadd.s32 $0xFFFFC000  }
0x66: {  	[tilespmem:s17], [sflag:$0x1] =	stream.indirect.gather [hbm4b:s1+s11], $0x80, s23, s11, $0xb8;
	[tilespmem:$0x1F080] =	vst v63  }
0x67: {  	_ =	swait.ge [sflag:s21], $0x4000  }
0x68: {  	[sflag:s21] =	ssyncset.done $0x0  }
0x69: {  	[sflag:s21] =	ssyncadd.s32 $0xFFFFC000  }
0x6a: {  	[spmem:s3] =	stream.indirect.scatter.add.f32 [tilespmem:s19], [sflag:$0x5], $0x80, s26, s11, $0xb8;
	[tilespmem:$0x1F080] =	vst v63  }
0x6b: {  	_ =	swait.ge [sflag:s14], $0x4000  }
0x6c: {  	[sflag:s14] =	ssyncset.done $0x0  }
0x6d: {  	s24 =	sadd.s32 $0x14400, s4;
	[sflag:s14] =	ssyncadd.s32 $0xFFFFC000  }
0x6e: {  	[tilespmem:s19], [sflag:$0x2] =	stream.indirect.gather [hbm4b:s1+s11], $0x80, s24, s11, $0xb8;
	[tilespmem:$0x1F080] =	vst v63  }
0x6f: {  	_ =	swait.ge [sflag:s20], $0x4000  }
0x70: {  	[sflag:s20] =	ssyncset.done $0x0  }
0x71: {  	[sflag:s20] =	ssyncadd.s32 $0xFFFFC000  }
0x72: {  	[spmem:s3] =	stream.indirect.scatter.add.f32 [tilespmem:s17], [sflag:$0x5], $0x80, s28, s11, $0xb8;
	[tilespmem:$0x1F080] =	vst v63  }
0x73: {  	_ =	swait.ge [sflag:s14], $0x4000  }
0x74: {  	[sflag:s14] =	ssyncset.done $0x0  }
0x75: {  	s23 =	sadd.s32 $0x14480, s4;
	[sflag:s14] =	ssyncadd.s32 $0xFFFFC000  }
0x76: {  	[tilespmem:s17], [sflag:$0x1] =	stream.indirect.gather [hbm4b:s1+s11], $0x80, s23, s11, $0xb8;
	[tilespmem:$0x1F080] =	vst v63  }
0x77: {  	_ =	swait.ge [sflag:s21], $0x4000  }
0x78: {  	[sflag:s21] =	ssyncset.done $0x0  }
0x79: {  	[sflag:s21] =	ssyncadd.s32 $0xFFFFC000  }
0x7a: {  	[spmem:s3] =	stream.indirect.scatter.add.f32 [tilespmem:s19], [sflag:$0x5], $0x80, s29, s11, $0xb8;
	[tilespmem:$0x1F080] =	vst v63  }
0x7b: {  	p0 =	seq.s32 s9, $0x8000;
	_ =	swait.ge [sflag:s14], $0x4000  }
0x7c: {  	s22 =	sadd.s32 @!p0 $0xFFFFFF80, s6;
	[sflag:s14] =	ssyncset.done $0x0  }
0x7d: {  	s24 =	simm.s32 @!p0 $0x16880;
	s23 =	simm.s32 @!p0 $0x0;
	[sflag:s14] =	ssyncadd.s32 $0xFFFFC000  }
0x7e: {  	[tilespmem:s24], [sflag:$0x3] =	stream.linear.gather @!p0 [hbm4b:s22+s23], $0x400, $0x38;
	[tilespmem:$0x1F080] =	vst v63  }
0x7f: {  	_ =	swait.ge [sflag:s30], $0x400  }
0x80: {  	[sflag:s30] =	ssyncset.done $0x0  }
0x81: {  	s24 =	sadd.s32 $0x14500, s4;
	[sflag:s30] =	ssyncadd.s32 $0xFFFFFC00  }
0x82: {  	[tilespmem:s19], [sflag:$0x2] =	stream.indirect.gather [hbm4b:s1+s11], $0x80, s24, s11, $0xb8;
	[tilespmem:$0x1F080] =	vst v63  }
0x83: {  	_ =	swait.ge [sflag:s20], $0x4000  }
0x84: {  	[sflag:s20] =	ssyncset.done $0x0  }
0x85: {  	[sflag:s20] =	ssyncadd.s32 $0xFFFFC000  }
0x86: {  	[spmem:s3] =	stream.indirect.scatter.add.f32 [tilespmem:s17], [sflag:$0x5], $0x80, s16, s11, $0xb8;
	[tilespmem:$0x1F080] =	vst v63  }
0x87: {  	_ =	swait.ge [sflag:s14], $0x4000  }
0x88: {  	[sflag:s14] =	ssyncset.done $0x0  }
0x89: {  	s23 =	sadd.s32 $0x14580, s4;
	[sflag:s14] =	ssyncadd.s32 $0xFFFFC000  }
0x8a: {  	[tilespmem:s17], [sflag:$0x1] =	stream.indirect.gather [hbm4b:s1+s11], $0x80, s23, s11, $0xb8;
	[tilespmem:$0x1F080] =	vst v63  }
0x8b: {  	_ =	swait.ge [sflag:s21], $0x4000  }
0x8c: {  	[sflag:s21] =	ssyncset.done $0x0  }
0x8d: {  	[sflag:s21] =	ssyncadd.s32 $0xFFFFC000  }
0x8e: {  	[spmem:s3] =	stream.indirect.scatter.add.f32 [tilespmem:s19], [sflag:$0x5], $0x80, s31, s11, $0xb8;
	[tilespmem:$0x1F080] =	vst v63  }
0x8f: {  	_ =	swait.ge [sflag:s14], $0x4000  }
0x90: {  	[sflag:s14] =	ssyncset.done $0x0  }
0x91: {  	s24 =	sadd.s32 $0x14600, s4;
	[sflag:s14] =	ssyncadd.s32 $0xFFFFC000  }
0x92: {  	[tilespmem:s19], [sflag:$0x2] =	stream.indirect.gather [hbm4b:s1+s11], $0x80, s24, s11, $0xb8;
	[tilespmem:$0x1F080] =	vst v63  }
0x93: {  	_ =	swait.ge [sflag:s20], $0x4000  }
0x94: {  	[sflag:s20] =	ssyncset.done $0x0  }
0x95: {  	[sflag:s20] =	ssyncadd.s32 $0xFFFFC000  }
0x96: {  	[spmem:s3] =	stream.indirect.scatter.add.f32 [tilespmem:s17], [sflag:$0x5], $0x80, s2, s11, $0xb8;
	[tilespmem:$0x1F080] =	vst v63  }
0x97: {  	_ =	swait.ge [sflag:s14], $0x4000  }
0x98: {  	[sflag:s14] =	ssyncset.done $0x0  }
0x99: {  	s23 =	sadd.s32 $0x14680, s4;
	[sflag:s14] =	ssyncadd.s32 $0xFFFFC000  }
0x9a: {  	[tilespmem:s17], [sflag:$0x1] =	stream.indirect.gather [hbm4b:s1+s11], $0x80, s23, s11, $0xb8;
	[tilespmem:$0x1F080] =	vst v63  }
0x9b: {  	_ =	swait.ge [sflag:s21], $0x4000  }
0x9c: {  	[sflag:s21] =	ssyncset.done $0x0  }
0x9d: {  	[sflag:s21] =	ssyncadd.s32 $0xFFFFC000  }
0x9e: {  	[spmem:s3] =	stream.indirect.scatter.add.f32 [tilespmem:s19], [sflag:$0x5], $0x80, s12, s11, $0xb8;
	[tilespmem:$0x1F080] =	vst v63  }
0x9f: {  	_ =	swait.ge [sflag:s14], $0x4000  }
0xa0: {  	[sflag:s14] =	ssyncset.done $0x0  }
0xa1: {  	s24 =	sadd.s32 $0x14700, s4;
	[sflag:s14] =	ssyncadd.s32 $0xFFFFC000  }
0xa2: {  	[tilespmem:s19], [sflag:$0x2] =	stream.indirect.gather [hbm4b:s1+s11], $0x80, s24, s11, $0xb8;
	[tilespmem:$0x1F080] =	vst v63  }
0xa3: {  	_ =	swait.ge [sflag:s20], $0x4000  }
0xa4: {  	[sflag:s20] =	ssyncset.done $0x0  }
0xa5: {  	[sflag:s20] =	ssyncadd.s32 $0xFFFFC000  }
0xa6: {  	[spmem:s3] =	stream.indirect.scatter.add.f32 [tilespmem:s17], [sflag:$0x5], $0x80, s5, s11, $0xb8;
	[tilespmem:$0x1F080] =	vst v63  }
0xa7: {  	_ =	swait.ge [sflag:s14], $0x4000  }
0xa8: {  	[sflag:s14] =	ssyncset.done $0x0  }
0xa9: {  	s23 =	sadd.s32 $0x14780, s4;
	[sflag:s14] =	ssyncadd.s32 $0xFFFFC000  }
0xaa: {  	[tilespmem:s17], [sflag:$0x1] =	stream.indirect.gather [hbm4b:s1+s11], $0x80, s23, s11, $0xb8;
	[tilespmem:$0x1F080] =	vst v63  }
0xab: {  	_ =	swait.ge [sflag:s21], $0x4000  }
0xac: {  	[sflag:s21] =	ssyncset.done $0x0  }
0xad: {  	[sflag:s21] =	ssyncadd.s32 $0xFFFFC000  }
0xae: {  	[spmem:s3] =	stream.indirect.scatter.add.f32 [tilespmem:s19], [sflag:$0x5], $0x80, s13, s11, $0xb8;
	[tilespmem:$0x1F080] =	vst v63  }
0xaf: {  	_ =	swait.ge [sflag:s14], $0x4000  }
0xb0: {  	[sflag:s14] =	ssyncset.done $0x0  }
0xb1: {  	s24 =	sadd.s32 $0x14800, s4;
	[sflag:s14] =	ssyncadd.s32 $0xFFFFC000  }
0xb2: {  	[tilespmem:s19], [sflag:$0x2] =	stream.indirect.gather [hbm4b:s1+s11], $0x80, s24, s11, $0xb8;
	[tilespmem:$0x1F080] =	vst v63  }
0xb3: {  	_ =	swait.ge [sflag:s20], $0x4000  }
0xb4: {  	[sflag:s20] =	ssyncset.done $0x0  }
.Ltmp2:
0xb5: {  	[sflag:s20] =	ssyncadd.s32 $0xFFFFC000;
	(pc) =	sbr.rel @p0 .LBB2_8-.Ltmp2, $4  }
0xb6: {  	[spmem:s3] =	stream.indirect.scatter.add.f32 [tilespmem:s17], [sflag:$0x5], $0x80, s8, s11, $0xb8;
	[tilespmem:$0x1F080] =	vst v63  }
0xb7: {  	_ =	swait.ge [sflag:s14], $0x4000  }
0xb8: {  	[sflag:s14] =	ssyncset.done $0x0  }
0xb9: {  	[sflag:s14] =	ssyncadd.s32 $0xFFFFC000  }
0xba: {  	s4 =	sadd.s32 $0x14880, s4  }
0xbb: {  	[tilespmem:s17], [sflag:$0x1] =	stream.indirect.gather [hbm4b:s1+s11], $0x80, s4, s11, $0xb8;
	[tilespmem:$0x1F080] =	vst v63  }
0xbc: {  	_ =	swait.ge [sflag:s21], $0x4000  }
0xbd: {  	[sflag:s21] =	ssyncset.done $0x0  }
0xbe: {  	[sflag:s21] =	ssyncadd.s32 $0xFFFFC000  }
0xbf: {  	[spmem:s3] =	stream.indirect.scatter.add.f32 [tilespmem:s19], [sflag:$0x5], $0x80, s10, s11, $0xb8;
	[tilespmem:$0x1F080] =	vst v63  }
.Ltmp3:
0xc0: {  	_ =	swait.ge [sflag:s14], $0x4000;
	(pc) =	sbr.rel .LBB2_6-.Ltmp3, $4  }
0xc1: {  	[sflag:s14] =	ssyncset.done $0x0  }
0xc2: {  	[sflag:s14] =	ssyncadd.s32 $0xFFFFC000  }
0xc3: {  	[tilespmem:s16], [sflag:$0x4] =	stream.linear.gather [hbm4b:s6+s15], $0x400, $0x38;
	[tilespmem:$0x1F080] =	vst v63  }
0xc4: {  	s9 =	sadd.s32 $0x2000, s9;
	s6 =	sadd.s32 $0x100, s6  }
.LBB2_8:
0xc5: {  	_ =	swait.ge [sflag:s21], $0x4000  }
0xc6: {  	[sflag:s21] =	ssyncset.done $0x0  }
0xc7: {  	[sflag:s21] =	ssyncadd.s32 $0xFFFFC000  }
0xc8: {  	[spmem:s3] =	stream.indirect.scatter.add.f32 [tilespmem:s19], [sflag:$0x5], $0x80, s10, s11, $0xb8;
	[tilespmem:$0x1F080] =	vst v63  }
0xc9: {  	_ =	swait.ge [sflag:s14], $0x4000  }
0xca: {  	[sflag:s14] =	ssyncset.done $0x0  }
0xcb: {  	s4 =	sadd.s32 $0x0, s0;
	[sflag:s14] =	ssyncadd.s32 $0xFFFFC000  }
0xcc: {  	p0 =	sgt.u32 s4, $0x270;
	[bflag:$0x0] =	sbarrier.arrive $0xFFFF  }
0xcd: {  	s4 =	sshll.u32 @!p0 s0, $0x6;
	s9 =	simm.s32 @!p0 $0x5;
	s15 =	rddreg [dreg:$0x8]  }
0xce: {  	s22 =	sshrl.u32 @!p0 s25, $0x3;
	s4 =	sor.u32 @!p0 $0x1C05, s4;
	s6 =	sadd.s32 @!p0 s15, s7  }
0xcf: {  	[hbm:s6], [sflag:s4] =	dma.local @!p0 [spmem:s22], $0x100  }
0xd0: {  	s23 =	sadd.s32 $0x10, s0;
	s22 =	simm.s32 $0x20;
	_ =	swait.ge @!p0 [sflag:s9], $0x100  }
0xd1: {  	s4 =	sadd.s32 $0x1000, s15;
	s6 =	sadd.s32 $0x8000, s25;
	[sflag:s9] =	ssyncset.done @!p0 $0x0  }
.LBB2_9:
0xd2: {  	[sflag:s9] =	ssyncadd.s32 @!p0 $0xFFFFFF00  }
0xd3: {  	p0 =	sgt.u32 s23, $0x270;
	s23 =	smov.u32 s22;
	s22 =	sadd.s32 $0x10, s22  }
0xd4: {  	p1 =	sne.s32 s22, $0x280  }
.Ltmp4:
0xd5: {  	s24 =	sshll.u32 @!p0 s0, $0x6;
	s9 =	simm.s32 @!p0 $0x5;
	(pc) =	sbr.rel @p1 .LBB2_9-.Ltmp4, $4  }
0xd6: {  	s25 =	sadd.s32 @!p0 s4, s7;
	s15 =	sshrl.u32 @!p0 s6, $0x3;
	s24 =	sor.u32 @!p0 $0x1C05, s24  }
0xd7: {  	[hbm:s25], [sflag:s24] =	dma.local @!p0 [spmem:s15], $0x100  }
0xd8: {  	s4 =	sadd.s32 $0x1000, s4;
	_ =	swait.ge @!p0 [sflag:s9], $0x100  }
0xd9: {  	s23 =	sadd.s32 s23, s0;
	s6 =	sadd.s32 $0x8000, s6;
	[sflag:s9] =	ssyncset.done @!p0 $0x0  }
0xda: {  	p1 =	sgt.u32 s23, $0x270  }
0xdb: {  	[sflag:s9] =	ssyncadd.s32 @!p0 $0xFFFFFF00;
	s9 =	sshll.u32 @!p1 s0, $0x6;
	s15 =	simm.s32 @!p1 $0x5  }
0xdc: {  	s4 =	sadd.s32 @!p1 s4, s7;
	s6 =	sshrl.u32 @!p1 s6, $0x3;
	s9 =	sor.u32 @!p1 $0x1C05, s9  }
0xdd: {  	[hbm:s4], [sflag:s9] =	dma.local @!p1 [spmem:s6], $0x100  }
0xde: {  	_ =	swait.ge @!p1 [sflag:s15], $0x100  }
0xdf: {  	s24 =	rddreg [dreg:$0x9]  }
0xe0: {  	s25 =	rddreg [dreg:$0x6];
	s6 =	sadd.s32 $0x1, s24  }
0xe1: {  	p0 =	sne.s32 s6, s25  }
.Ltmp5:
0xe2: {  	_ = 	snop;
	(pc) =	sbr.rel @p0 .LBB2_1-.Ltmp5, $3  }
0xe3: {  	_ =	sdelay $0x1  }
0xe4: {  	[sflag:s15] =	ssyncset.done @!p1 $0x0  }
0xe5: {  	[sflag:s15] =	ssyncadd.s32 @!p1 $0xFFFFFF00;
	s15 =	simm.s32 $0x0;
	s25 =	rddreg [dreg:$0x7]  }
0xe6: {  	_ =	sfence.sel $0x180000  }
0xe7: {  	[bflag:$0x0] =	sbarrier.arrive $0xFFFF  }
0xe8: {  	_ =	strace $0x9000004A  }
0xe9: {  	[bflag:$0x2] =	sbarrier.arrive $0xFFFF  }
0xea: {  	p0 =	sne.s32 s0, $0x0;
	s0 =	rddreg [dreg:$0x3]  }
0xeb: {  	s0 =	sadd.s32 @!p0 $0x100000, s0  }
0xec: {  	[sflag:s0] =	ssyncadd.tile.s32 @!p0 $0x1;
	_ =	shalt  }
.Lfunc_end2:
_tile_overlayer_lowered:
.L_overlay_start_2:
0xed: {  	(tag) =	ssettag $0x2  }
0xee: {  	s0 =	rddreg [dreg:$0x0];
	s2 =	stileid.u32  }
0xef: {  	s1 =	rddreg [dreg:$0x1];
	p0 =	sne.s32 s2, $0x0  }
0xf0: {  	s3 =	rddreg [dreg:$0x2];
	[bflag:$0x3] =	sbarrier.arrive $0xFFFF;
	s2 =	simm.s32 @!p0 $0x1C05  }
0xf1: {  	[timem:s3], [sflag:s2] =	dma.local @!p0 [hbm:s0], s1  }
0xf2: {  	s0 =	simm.s32 @!p0 $0x5  }
0xf3: {  	_ =	swait.ge @!p0 [sflag:s0], s1  }
0xf4: {  	s1 =	ssub.s32 @!p0 $0x0, s1;
	[sflag:s0] =	ssyncset.done @!p0 $0x0  }
0xf5: {  	[sflag:s0] =	ssyncadd.s32 @!p0 s1  }
0xf6: {  	[bflag:$0x3] =	sbarrier.arrive $0xFFFF  }
0xf7: {  	_ =	shalt  }

</sc_bundles>
